<compile_context>
chip_gen: v7x
topology: tpu7x:2x2x1
jax: 0.10.2.dev20260603
libtpu: 0.0.44.dev20260713+nightly
codegen_flags: <defaults>
</compile_context>

<pallas_src>
import jax
import jax.numpy as jnp
from jax import lax
from jax.experimental import pallas as pl
from jax.experimental.pallas import tpu as pltpu
from jax.experimental.pallas import tpu_sc as plsc

_B = 8
_N = 16384
_C = 6
_K = 1024

_L = 16
_G = 4
_NP = _N // _G
_NV = _NP // _L
_KT = _K // _G
_CHUNK = 2048
_UN = 4
_I32MAX = 2147483647


def _fps_body(flat_hbm, out_hbm, stage_v, c0_v, c1_v, c2_v, c3_v, c4_v, c5_v,
              dist_v, idx_v, cand_v, red_v, obuf_v, shared):
    cid = lax.axis_index("c")
    sid = lax.axis_index("s")
    b = cid * (_B // 2) + sid // _G
    r = sid % _G
    g = sid // _G
    qbase = r * _NP
    lane = lax.iota(jnp.int32, _L)
    chans = (c0_v, c1_v, c2_v, c3_v, c4_v, c5_v)

    def stage_chunk(ch, _):
        pltpu.sync_copy(flat_hbm.at[b, pl.ds(ch * _CHUNK * _C, _CHUNK * _C)],
                        stage_v)

        def tr(v, _):
            q6 = (jnp.full((_L,), v * _L, jnp.int32) + lane) * _C
            dst = ch * _CHUNK + v * _L
            for c in range(_C):
                chans[c][pl.ds(dst, _L)] = plsc.load_gather(
                    stage_v, [q6 + c] if c else [q6])
            return 0

        lax.fori_loop(0, _CHUNK // _L, tr, 0)
        return 0

    lax.fori_loop(0, _N // _CHUNK, stage_chunk, 0)

    inf16 = jnp.full((_L,), jnp.inf, jnp.float32)

    def init_d(v, _):
        dist_v[pl.ds(v * _L, _L)] = inf16
        return 0

    lax.fori_loop(0, _NV, init_d, 0)

    def it_body(i, far):
        fvec = jnp.full((_L,), far, jnp.int32)
        cx = plsc.load_gather(c0_v, [fvec])
        cy = plsc.load_gather(c1_v, [fvec])
        cz = plsc.load_gather(c2_v, [fvec])
        plsc.store_scatter(idx_v, [jnp.full((_L,), i, jnp.int32)], fvec,
                           mask=lane == 0)

        vmax0 = jnp.full((_L,), -jnp.inf, jnp.float32)
        varg0 = jnp.zeros((_L,), jnp.int32)

        @plsc.parallel_loop(0, _NV, step=1, unroll=_UN,
                            carry=(vmax0, varg0))
        def vloop(v, c2):
            vmax, varg = c2
            o = v * _L
            xs = c0_v[pl.ds(qbase + o, _L)]
            ys = c1_v[pl.ds(qbase + o, _L)]
            zs = c2_v[pl.ds(qbase + o, _L)]
            dx = xs - cx
            dy = ys - cy
            dz = zs - cz
            d = (dx * dx + dz * dz) + dy * dy
            nd = jnp.minimum(dist_v[pl.ds(o, _L)], d)
            dist_v[pl.ds(o, _L)] = nd
            vv = jnp.full((_L,), v, jnp.int32)
            take = (nd > vmax) | ((nd == vmax) & (vv < varg))
            vmax = jnp.where(take, nd, vmax)
            varg = jnp.where(take, vv, varg)
            return vmax, varg

        vmax, varg = vloop

        aidx = jnp.full((_L,), qbase, jnp.int32) + varg * _L + lane
        m = jnp.max(vmax)
        mm = jnp.full((_L,), m, jnp.float32)
        a = jnp.min(jnp.where(vmax == mm, aidx,
                              jnp.full((_L,), _I32MAX, jnp.int32)))
        cand_v[pl.ds(0, _L)] = plsc.bitcast(mm, jnp.int32)
        cand_v[pl.ds(_L, _L)] = jnp.full((_L,), a, jnp.int32)

        par = i % 2
        pltpu.sync_copy(cand_v,
                        shared.at[pl.ds(par * 512 + sid * 32, 2 * _L)])
        plsc.subcore_barrier()
        pltpu.sync_copy(shared.at[pl.ds(par * 512 + g * 128, 8 * _L)], red_v)

        bval = plsc.bitcast(red_v[pl.ds(0, _L)], jnp.float32)
        barg = red_v[pl.ds(_L, _L)]
        for t in range(1, _G):
            tv = plsc.bitcast(red_v[pl.ds(t * 32, _L)], jnp.float32)
            ta = red_v[pl.ds(t * 32 + _L, _L)]
            take = (tv > bval) | ((tv == bval) & (ta < barg))
            bval = jnp.where(take, tv, bval)
            barg = jnp.where(take, ta, barg)
        return jnp.max(barg)

    lax.fori_loop(0, _K, it_body, jnp.zeros((), jnp.int32))

    kbase = r * _KT

    def gat(w, _):
        iv = idx_v[pl.ds(kbase + w * _L, _L)]
        dst = (jnp.full((_L,), w * _L, jnp.int32) + lane) * _C
        for c in range(_C):
            plsc.store_scatter(obuf_v, [dst + c] if c else [dst],
                               plsc.load_gather(chans[c], [iv]))
        return 0

    lax.fori_loop(0, _KT // _L, gat, 0)
    pltpu.sync_copy(obuf_v, out_hbm.at[b, pl.ds(kbase * _C, _KT * _C)])


def _build(interpret=False):
    mesh = plsc.VectorSubcoreMesh(core_axis_name="c", subcore_axis_name="s",
                                  num_cores=2, num_subcores=16)
    return pl.kernel(
        _fps_body,
        out_type=jax.ShapeDtypeStruct((_B, _K * _C), jnp.float32),
        mesh=mesh,
        interpret=interpret,
        compiler_params=pltpu.CompilerParams(needs_layout_passes=False),
        scratch_types=(
            [pltpu.VMEM((_CHUNK * _C,), jnp.float32)]
            + [pltpu.VMEM((_N,), jnp.float32)] * _C
            + [
                pltpu.VMEM((_NP,), jnp.float32),
                pltpu.VMEM((_K,), jnp.int32),
                pltpu.VMEM((2 * _L,), jnp.int32),
                pltpu.VMEM((8 * _L,), jnp.int32),
                pltpu.VMEM((_KT * _C,), jnp.float32),
                pltpu.VMEM_SHARED((1024,), jnp.int32),
            ]
        ),
    )


def kernel(points):
    flat = points.reshape(_B, _N * _C)
    return _build()(flat).reshape(_B, _K, _C)

# --- scband reference (transcript-rebuilt; emitter-appended) ---
"""Pipeline reference for scband-point-cloud-subsampling-10393820856387 (READ-ONLY COPY).

The authoritative reference and input builder live on the scoring server;
editing this copy changes nothing except your own understanding.
"""

import jax, jax.numpy as jnp
import numpy as np


def _fps_indices(xyz, K):
    # Iterative farthest point sampling. Deterministic start at index 0
    # (original uses random_start_point=True; fixed start keeps the reference reproducible).
    B, N, _ = xyz.shape
    start = jnp.zeros((B,), dtype=jnp.int32)
    dists0 = jnp.full((B, N), jnp.inf, dtype=xyz.dtype)
    idx0 = jnp.zeros((B, K), dtype=jnp.int32)

    def body(i, state):
        dists, idx, farthest = state
        centroid = jnp.take_along_axis(xyz, farthest[:, None, None], axis=1)  # [B,1,3]
        d = jnp.sum((xyz - centroid) ** 2, axis=-1)  # [B,N]
        dists = jnp.minimum(dists, d)
        idx = idx.at[:, i].set(farthest)
        farthest = jnp.argmax(dists, axis=-1).astype(jnp.int32)
        return (dists, idx, farthest)

    _, idx, _ = jax.lax.fori_loop(0, K, body, (dists0, idx0, start))
    return idx


def setup_inputs(seed: int = 0) -> dict:
    key = jax.random.key(seed)
    points = jax.random.normal(key, (8, 16384, 6), dtype=jnp.float32)
    return {"points": points}


def reference(points):
    K = 1024  # num_points from init_kwargs, strategy='fps'
    xyz = points[:, :, :3].astype(jnp.float32)
    idx = _fps_indices(xyz, K)  # [B, K] int32
    # masked_gather: gather selected points across all channels
    data = jnp.take_along_axis(points, idx[:, :, None], axis=1)  # [B, K, C]
    return data

if __name__ == "__main__":
    import jax
    _d = setup_inputs()
    print(jax.jit(kernel)(*tuple(_d.values())))

</pallas_src>

<mosaic_0001>
#map = affine_map<(d0, d1) -> (0, 0)>
module attributes {stable_mosaic.version = 14 : i64} {
  func.func @_fps_body(%arg0: i32, %arg1: i32, %arg2: memref<8x98304xf32, #tpu.memory_space<hbm>>, %arg3: memref<8x6144xf32, #tpu.memory_space<hbm>>, %arg4: memref<12288xf32, #tpu.memory_space<vmem>>, %arg5: memref<16384xf32, #tpu.memory_space<vmem>>, %arg6: memref<16384xf32, #tpu.memory_space<vmem>>, %arg7: memref<16384xf32, #tpu.memory_space<vmem>>, %arg8: memref<16384xf32, #tpu.memory_space<vmem>>, %arg9: memref<16384xf32, #tpu.memory_space<vmem>>, %arg10: memref<16384xf32, #tpu.memory_space<vmem>>, %arg11: memref<4096xf32, #tpu.memory_space<vmem>>, %arg12: memref<1024xi32, #tpu.memory_space<vmem>>, %arg13: memref<32xi32, #tpu.memory_space<vmem>>, %arg14: memref<128xi32, #tpu.memory_space<vmem>>, %arg15: memref<1536xf32, #tpu.memory_space<vmem>>, %arg16: memref<1024xi32, #tpu.memory_space<vmem_shared>>) attributes {dimension_semantics = [#tpu.dimension_semantics<core_parallel>, #tpu.dimension_semantics<subcore_parallel>], iteration_bounds = array<i64: 2, 16>, scalar_prefetch = 0 : i64, scratch_operands = 13 : i64, tpu.core_type = #tpu.core_type<sc_vector_subcore>, window_params = [{transform_indices = #map}, {transform_indices = #map}]} {
    %mul3A = arith.constant 4 : i32
    %mul3A_0 = arith.muli %arg0, %mul3A : i32
    %jit3A = arith.constant 4 : i32
    %div3A = arith.divsi %arg1, %jit3A : i32
    %sign3A = arith.constant 0 : i32
    %sign3A_1 = arith.cmpi sgt, %arg1, %sign3A : i32
    %sign3A_2 = arith.extui %sign3A_1 : i1 to i32
    %sign3A_3 = arith.constant 0 : i32
    %sign3A_4 = arith.cmpi slt, %arg1, %sign3A_3 : i32
    %sign3A_5 = arith.extui %sign3A_4 : i1 to i32
    %sign3A_6 = arith.subi %sign3A_2, %sign3A_5 : i32
    %sign3A_7 = arith.constant 0 : i32
    %sign3A_8 = arith.cmpi sgt, %jit3A, %sign3A_7 : i32
    %sign3A_9 = arith.extui %sign3A_8 : i1 to i32
    %sign3A_10 = arith.constant 0 : i32
    %sign3A_11 = arith.cmpi slt, %jit3A, %sign3A_10 : i32
    %sign3A_12 = arith.extui %sign3A_11 : i1 to i32
    %sign3A_13 = arith.subi %sign3A_9, %sign3A_12 : i32
    %ne3A = arith.cmpi ne, %sign3A_6, %sign3A_13 : i32
    %rem3A = arith.remsi %arg1, %jit3A : i32
    %ne3A_14 = arith.constant 0 : i32
    %ne3A_15 = arith.cmpi ne, %rem3A, %ne3A_14 : i32
    %and3A = arith.andi %ne3A, %ne3A_15 : i1
    %sub3A = arith.constant 1 : i32
    %sub3A_16 = arith.subi %div3A, %sub3A : i32
    %select_n3A = arith.select %and3A, %sub3A_16, %div3A : i32
    %add3A = arith.addi %mul3A_0, %select_n3A : i32
    %jit3A_17 = arith.constant 4 : i32
    %eq3A = arith.constant 0 : i32
    %eq3A_18 = arith.cmpi eq, %jit3A_17, %eq3A : i32
    %jit3A_19 = arith.constant 1 : i32
    %select_n3A_20 = arith.select %eq3A_18, %jit3A_19, %jit3A_17 : i32
    %rem3A_21 = arith.remsi %arg1, %select_n3A_20 : i32
    %ne3A_22 = arith.constant 0 : i32
    %ne3A_23 = arith.cmpi ne, %rem3A_21, %ne3A_22 : i32
    %lt3A = arith.constant 0 : i32
    %lt3A_24 = arith.cmpi slt, %rem3A_21, %lt3A : i32
    %lt3A_25 = arith.constant 0 : i32
    %lt3A_26 = arith.cmpi slt, %select_n3A_20, %lt3A_25 : i32
    %ne3A_27 = arith.xori %lt3A_24, %lt3A_26 : i1
    %and3A_28 = arith.andi %ne3A_27, %ne3A_23 : i1
    %add3A_29 = arith.addi %rem3A_21, %select_n3A_20 : i32
    %select_n3A_30 = arith.select %and3A_28, %add3A_29, %rem3A_21 : i32
    %jit3A_31 = arith.constant 4 : i32
    %div3A_32 = arith.divsi %arg1, %jit3A_31 : i32
    %sign3A_33 = arith.constant 0 : i32
    %sign3A_34 = arith.cmpi sgt, %arg1, %sign3A_33 : i32
    %sign3A_35 = arith.extui %sign3A_34 : i1 to i32
    %sign3A_36 = arith.constant 0 : i32
    %sign3A_37 = arith.cmpi slt, %arg1, %sign3A_36 : i32
    %sign3A_38 = arith.extui %sign3A_37 : i1 to i32
    %sign3A_39 = arith.subi %sign3A_35, %sign3A_38 : i32
    %sign3A_40 = arith.constant 0 : i32
    %sign3A_41 = arith.cmpi sgt, %jit3A_31, %sign3A_40 : i32
    %sign3A_42 = arith.extui %sign3A_41 : i1 to i32
    %sign3A_43 = arith.constant 0 : i32
    %sign3A_44 = arith.cmpi slt, %jit3A_31, %sign3A_43 : i32
    %sign3A_45 = arith.extui %sign3A_44 : i1 to i32
    %sign3A_46 = arith.subi %sign3A_42, %sign3A_45 : i32
    %ne3A_47 = arith.cmpi ne, %sign3A_39, %sign3A_46 : i32
    %rem3A_48 = arith.remsi %arg1, %jit3A_31 : i32
    %ne3A_49 = arith.constant 0 : i32
    %ne3A_50 = arith.cmpi ne, %rem3A_48, %ne3A_49 : i32
    %and3A_51 = arith.andi %ne3A_47, %ne3A_50 : i1
    %sub3A_52 = arith.constant 1 : i32
    %sub3A_53 = arith.subi %div3A_32, %sub3A_52 : i32
    %select_n3A_54 = arith.select %and3A_51, %sub3A_53, %div3A_32 : i32
    %mul3A_55 = arith.constant 4096 : i32
    %mul3A_56 = arith.muli %select_n3A_30, %mul3A_55 : i32
    %iota3A = tpu.iota {dimensions = array<i32: 0>} : vector<16xi32>
    %scan3A = arith.constant 0 : i32
    %scan3A_57 = arith.constant 0 : i32
    %scan3A_58 = arith.constant 8 : i32
    %scan3A_59 = arith.addi %scan3A_57, %scan3A_58 : i32
    %scan3A_60 = arith.constant 1 : i32
    %scan3A_61 = scf.for %scan3A_89 = %scan3A_57 to %scan3A_59 step %scan3A_60 iter_args(%scan3A_90 = %scan3A) -> (i32)  : i32 {
      %mul3A_91 = arith.constant 2048 : i32
      %mul3A_92 = arith.muli %scan3A_89, %mul3A_91 : i32
      %mul3A_93 = arith.constant 6 : i32
      %mul3A_94 = arith.muli %mul3A_92, %mul3A_93 : i32
      "tpu.region"() ({
        %run_scoped3A = tpu.sem_alloc : memref<!tpu.dma_semaphore, #tpu.memory_space<semaphore_mem>>
        %dma_start3A = tpu.memref_slice %arg2[%add3A, %mul3A_94] : memref<8x98304xf32, #tpu.memory_space<hbm>> -> memref<1x12288xf32, #tpu.memory_space<hbm>>
        %dma_start3A_103 = tpu.memref_squeeze %dma_start3A : memref<1x12288xf32, #tpu.memory_space<hbm>> -> memref<12288xf32, #tpu.memory_space<hbm>>
        %dma_start3A_104 = tpu.memref_slice %arg2[%add3A, %mul3A_94] : memref<8x98304xf32, #tpu.memory_space<hbm>> -> memref<1x12288xf32, #tpu.memory_space<hbm>>
        %dma_start3A_105 = tpu.memref_squeeze %dma_start3A_104 : memref<1x12288xf32, #tpu.memory_space<hbm>> -> memref<12288xf32, #tpu.memory_space<hbm>>
        tpu.enqueue_dma source(%dma_start3A_105 : memref<12288xf32, #tpu.memory_space<hbm>>) target(%arg4 : memref<12288xf32, #tpu.memory_space<vmem>>) target_semaphore(%run_scoped3A : memref<!tpu.dma_semaphore, #tpu.memory_space<semaphore_mem>>)
        %dma_wait3A = tpu.memref_slice %arg2[%add3A, %mul3A_94] : memref<8x98304xf32, #tpu.memory_space<hbm>> -> memref<1x12288xf32, #tpu.memory_space<hbm>>
        %dma_wait3A_106 = tpu.memref_squeeze %dma_wait3A : memref<1x12288xf32, #tpu.memory_space<hbm>> -> memref<12288xf32, #tpu.memory_space<hbm>>
        %dma_wait3A_107 = tpu.memref_slice %arg2[%add3A, %mul3A_94] : memref<8x98304xf32, #tpu.memory_space<hbm>> -> memref<1x12288xf32, #tpu.memory_space<hbm>>
        %dma_wait3A_108 = tpu.memref_squeeze %dma_wait3A_107 : memref<1x12288xf32, #tpu.memory_space<hbm>> -> memref<12288xf32, #tpu.memory_space<hbm>>
        tpu.wait_dma2 semaphore(%run_scoped3A : memref<!tpu.dma_semaphore, #tpu.memory_space<semaphore_mem>>) src(%dma_wait3A_108 : memref<12288xf32, #tpu.memory_space<hbm>>) dst(%arg4 : memref<12288xf32, #tpu.memory_space<vmem>>)
        tpu.yield
      }) : () -> ()
      %scan3A_95 = arith.constant 0 : i32
      %scan3A_96 = arith.constant 0 : i32
      %scan3A_97 = arith.constant 128 : i32
      %scan3A_98 = arith.addi %scan3A_96, %scan3A_97 : i32
      %scan3A_99 = arith.constant 1 : i32
      %scan3A_100 = scf.for %scan3A_103 = %scan3A_96 to %scan3A_98 step %scan3A_99 iter_args(%scan3A_104 = %scan3A_95) -> (i32)  : i32 {
        %mul3A_105 = arith.constant 16 : i32
        %mul3A_106 = arith.muli %scan3A_103, %mul3A_105 : i32
        %broadcast_in_dim3A_107 = vector.broadcast %mul3A_106 : i32 to vector<16xi32>
        %add3A_108 = arith.addi %broadcast_in_dim3A_107, %iota3A : vector<16xi32>
        %mul3A_109 = arith.constant 6 : i32
        %mul3A_110 = vector.broadcast %mul3A_109 : i32 to vector<16xi32>
        %mul3A_111 = arith.muli %add3A_108, %mul3A_110 : vector<16xi32>
        %mul3A_112 = arith.constant 2048 : i32
        %mul3A_113 = arith.muli %scan3A_89, %mul3A_112 : i32
        %mul3A_114 = arith.constant 16 : i32
        %mul3A_115 = arith.muli %scan3A_103, %mul3A_114 : i32
        %add3A_116 = arith.addi %mul3A_113, %mul3A_115 : i32
        %gather3A = tpu.vector_load_idx %arg4[%mul3A_111] : memref<12288xf32, #tpu.memory_space<vmem>>[vector<16xi32>], vector<16xf32>,
        %swap3A = arith.index_cast %add3A_116 : i32 to index
        %swap3A_117 = tpu.vector_load %arg5[%swap3A] {strides = array<i32>} : memref<16384xf32, #tpu.memory_space<vmem>>, vector<16xf32>,
        tpu.vector_store %arg5[%swap3A], %gather3A {strides = array<i32>} : memref<16384xf32, #tpu.memory_space<vmem>>, vector<16xf32>,
        %add3A_118 = arith.constant 1 : i32
        %add3A_119 = vector.broadcast %add3A_118 : i32 to vector<16xi32>
        %add3A_120 = arith.addi %mul3A_111, %add3A_119 : vector<16xi32>
        %gather3A_121 = tpu.vector_load_idx %arg4[%add3A_120] : memref<12288xf32, #tpu.memory_space<vmem>>[vector<16xi32>], vector<16xf32>,
        %swap3A_122 = arith.index_cast %add3A_116 : i32 to index
        %swap3A_123 = tpu.vector_load %arg6[%swap3A_122] {strides = array<i32>} : memref<16384xf32, #tpu.memory_space<vmem>>, vector<16xf32>,
        tpu.vector_store %arg6[%swap3A_122], %gather3A_121 {strides = array<i32>} : memref<16384xf32, #tpu.memory_space<vmem>>, vector<16xf32>,
        %add3A_124 = arith.constant 2 : i32
        %add3A_125 = vector.broadcast %add3A_124 : i32 to vector<16xi32>
        %add3A_126 = arith.addi %mul3A_111, %add3A_125 : vector<16xi32>
        %gather3A_127 = tpu.vector_load_idx %arg4[%add3A_126] : memref<12288xf32, #tpu.memory_space<vmem>>[vector<16xi32>], vector<16xf32>,
        %swap3A_128 = arith.index_cast %add3A_116 : i32 to index
        %swap3A_129 = tpu.vector_load %arg7[%swap3A_128] {strides = array<i32>} : memref<16384xf32, #tpu.memory_space<vmem>>, vector<16xf32>,
        tpu.vector_store %arg7[%swap3A_128], %gather3A_127 {strides = array<i32>} : memref<16384xf32, #tpu.memory_space<vmem>>, vector<16xf32>,
        %add3A_130 = arith.constant 3 : i32
        %add3A_131 = vector.broadcast %add3A_130 : i32 to vector<16xi32>
        %add3A_132 = arith.addi %mul3A_111, %add3A_131 : vector<16xi32>
        %gather3A_133 = tpu.vector_load_idx %arg4[%add3A_132] : memref<12288xf32, #tpu.memory_space<vmem>>[vector<16xi32>], vector<16xf32>,
        %swap3A_134 = arith.index_cast %add3A_116 : i32 to index
        %swap3A_135 = tpu.vector_load %arg8[%swap3A_134] {strides = array<i32>} : memref<16384xf32, #tpu.memory_space<vmem>>, vector<16xf32>,
        tpu.vector_store %arg8[%swap3A_134], %gather3A_133 {strides = array<i32>} : memref<16384xf32, #tpu.memory_space<vmem>>, vector<16xf32>,
        %add3A_136 = arith.constant 4 : i32
        %add3A_137 = vector.broadcast %add3A_136 : i32 to vector<16xi32>
        %add3A_138 = arith.addi %mul3A_111, %add3A_137 : vector<16xi32>
        %gather3A_139 = tpu.vector_load_idx %arg4[%add3A_138] : memref<12288xf32, #tpu.memory_space<vmem>>[vector<16xi32>], vector<16xf32>,
        %swap3A_140 = arith.index_cast %add3A_116 : i32 to index
        %swap3A_141 = tpu.vector_load %arg9[%swap3A_140] {strides = array<i32>} : memref<16384xf32, #tpu.memory_space<vmem>>, vector<16xf32>,
        tpu.vector_store %arg9[%swap3A_140], %gather3A_139 {strides = array<i32>} : memref<16384xf32, #tpu.memory_space<vmem>>, vector<16xf32>,
        %add3A_142 = arith.constant 5 : i32
        %add3A_143 = vector.broadcast %add3A_142 : i32 to vector<16xi32>
        %add3A_144 = arith.addi %mul3A_111, %add3A_143 : vector<16xi32>
        %gather3A_145 = tpu.vector_load_idx %arg4[%add3A_144] : memref<12288xf32, #tpu.memory_space<vmem>>[vector<16xi32>], vector<16xf32>,
        %swap3A_146 = arith.index_cast %add3A_116 : i32 to index
        %swap3A_147 = tpu.vector_load %arg10[%swap3A_146] {strides = array<i32>} : memref<16384xf32, #tpu.memory_space<vmem>>, vector<16xf32>,
        tpu.vector_store %arg10[%swap3A_146], %gather3A_145 {strides = array<i32>} : memref<16384xf32, #tpu.memory_space<vmem>>, vector<16xf32>,
        %scan3A_148 = arith.constant 0 : i32
        scf.yield %scan3A_148 : i32
      }
      %scan3A_101 = arith.constant 128 : i32
      %scan3A_102 = arith.constant 0 : i32
      scf.yield %scan3A_102 : i32
    }
    %scan3A_62 = arith.constant 8 : i32
    %broadcast_in_dim3A = arith.constant 0x7F800000 : f32
    %broadcast_in_dim3A_63 = vector.broadcast %broadcast_in_dim3A : f32 to vector<16xf32>
    %scan3A_64 = arith.constant 0 : i32
    %scan3A_65 = arith.constant 0 : i32
    %scan3A_66 = arith.constant 256 : i32
    %scan3A_67 = arith.addi %scan3A_65, %scan3A_66 : i32
    %scan3A_68 = arith.constant 1 : i32
    %scan3A_69 = scf.for %scan3A_89 = %scan3A_65 to %scan3A_67 step %scan3A_68 iter_args(%scan3A_90 = %scan3A_64) -> (i32)  : i32 {
      %mul3A_91 = arith.constant 16 : i32
      %mul3A_92 = arith.muli %scan3A_89, %mul3A_91 : i32
      %swap3A = arith.index_cast %mul3A_92 : i32 to index
      %swap3A_93 = tpu.vector_load %arg11[%swap3A] {strides = array<i32>} : memref<4096xf32, #tpu.memory_space<vmem>>, vector<16xf32>,
      tpu.vector_store %arg11[%swap3A], %broadcast_in_dim3A_63 {strides = array<i32>} : memref<4096xf32, #tpu.memory_space<vmem>>, vector<16xf32>,
      %scan3A_94 = arith.constant 0 : i32
      scf.yield %scan3A_94 : i32
    }
    %scan3A_70 = arith.constant 256 : i32
    %scan3A_71 = arith.constant 0 : i32
    %scan3A_72 = arith.constant 0 : i32
    %scan3A_73 = arith.constant 1024 : i32
    %scan3A_74 = arith.addi %scan3A_72, %scan3A_73 : i32
    %scan3A_75 = arith.constant 1 : i32
    %scan3A_76 = scf.for %scan3A_89 = %scan3A_72 to %scan3A_74 step %scan3A_75 iter_args(%scan3A_90 = %scan3A_71) -> (i32)  : i32 {
      %broadcast_in_dim3A_91 = vector.broadcast %scan3A_90 : i32 to vector<16xi32>
      %gather3A = tpu.vector_load_idx %arg5[%broadcast_in_dim3A_91] : memref<16384xf32, #tpu.memory_space<vmem>>[vector<16xi32>], vector<16xf32>,
      %gather3A_92 = tpu.vector_load_idx %arg6[%broadcast_in_dim3A_91] : memref<16384xf32, #tpu.memory_space<vmem>>[vector<16xi32>], vector<16xf32>,
      %gather3A_93 = tpu.vector_load_idx %arg7[%broadcast_in_dim3A_91] : memref<16384xf32, #tpu.memory_space<vmem>>[vector<16xi32>], vector<16xf32>,
      %broadcast_in_dim3A_94 = vector.broadcast %scan3A_89 : i32 to vector<16xi32>
      %eq3A_95 = arith.constant 0 : i32
      %eq3A_96 = vector.broadcast %eq3A_95 : i32 to vector<16xi32>
      %eq3A_97 = arith.cmpi eq, %iota3A, %eq3A_96 : vector<16xi32>
      tpu.vector_store_idx %arg12[%broadcast_in_dim3A_94], %broadcast_in_dim3A_91 masked %eq3A_97 : memref<1024xi32, #tpu.memory_space<vmem>>[vector<16xi32>], vector<16xi32>, vector<16xi1>
      %broadcast_in_dim3A_98 = arith.constant 0xFF800000 : f32
      %broadcast_in_dim3A_99 = vector.broadcast %broadcast_in_dim3A_98 : f32 to vector<16xf32>
      %broadcast_in_dim3A_100 = arith.constant 0 : i32
      %broadcast_in_dim3A_101 = vector.broadcast %broadcast_in_dim3A_100 : i32 to vector<16xi32>
      %parallel_loop3A = arith.constant 0 : i32
      %parallel_loop3A_102 = arith.constant 256 : i32
      %parallel_loop3A_103 = arith.constant 1 : i32
      %parallel_loop3A_104:2 = scf.for %parallel_loop3A_202 = %parallel_loop3A to %parallel_loop3A_102 step %parallel_loop3A_103 iter_args(%parallel_loop3A_203 = %broadcast_in_dim3A_99, %parallel_loop3A_204 = %broadcast_in_dim3A_101) -> (vector<16xf32>, vector<16xi32>)  : i32 {
        %parallel_loop3A_205 = arith.constant 16 : i32
        %parallel_loop3A_206 = arith.muli %parallel_loop3A_202, %parallel_loop3A_205 : i32
        %parallel_loop3A_207 = arith.addi %mul3A_56, %parallel_loop3A_206 : i32
        %parallel_loop3A_208 = arith.index_cast %parallel_loop3A_207 : i32 to index
        %parallel_loop3A_209 = tpu.vector_load %arg5[%parallel_loop3A_208] {strides = array<i32>} : memref<16384xf32, #tpu.memory_space<vmem>>, vector<16xf32>,
        %parallel_loop3A_210 = arith.addi %mul3A_56, %parallel_loop3A_206 : i32
        %parallel_loop3A_211 = arith.index_cast %parallel_loop3A_210 : i32 to index
        %parallel_loop3A_212 = tpu.vector_load %arg6[%parallel_loop3A_211] {strides = array<i32>} : memref<16384xf32, #tpu.memory_space<vmem>>, vector<16xf32>,
        %parallel_loop3A_213 = arith.addi %mul3A_56, %parallel_loop3A_206 : i32
        %parallel_loop3A_214 = arith.index_cast %parallel_loop3A_213 : i32 to index
        %parallel_loop3A_215 = tpu.vector_load %arg7[%parallel_loop3A_214] {strides = array<i32>} : memref<16384xf32, #tpu.memory_space<vmem>>, vector<16xf32>,
        %parallel_loop3A_216 = arith.subf %parallel_loop3A_209, %gather3A : vector<16xf32>
        %parallel_loop3A_217 = arith.subf %parallel_loop3A_212, %gather3A_92 : vector<16xf32>
        %parallel_loop3A_218 = arith.subf %parallel_loop3A_215, %gather3A_93 : vector<16xf32>
        %parallel_loop3A_219 = arith.mulf %parallel_loop3A_216, %parallel_loop3A_216 : vector<16xf32>
        %parallel_loop3A_220 = arith.mulf %parallel_loop3A_218, %parallel_loop3A_218 : vector<16xf32>
        %parallel_loop3A_221 = arith.addf %parallel_loop3A_219, %parallel_loop3A_220 : vector<16xf32>
        %parallel_loop3A_222 = arith.mulf %parallel_loop3A_217, %parallel_loop3A_217 : vector<16xf32>
        %parallel_loop3A_223 = arith.addf %parallel_loop3A_221, %parallel_loop3A_222 : vector<16xf32>
        %parallel_loop3A_224 = arith.index_cast %parallel_loop3A_206 : i32 to index
        %parallel_loop3A_225 = tpu.vector_load %arg11[%parallel_loop3A_224] {strides = array<i32>} : memref<4096xf32, #tpu.memory_space<vmem>>, vector<16xf32>,
        %parallel_loop3A_226 = arith.minimumf %parallel_loop3A_225, %parallel_loop3A_223 : vector<16xf32>
        %parallel_loop3A_227 = arith.index_cast %parallel_loop3A_206 : i32 to index
        %parallel_loop3A_228 = tpu.vector_load %arg11[%parallel_loop3A_227] {strides = array<i32>} : memref<4096xf32, #tpu.memory_space<vmem>>, vector<16xf32>,
        tpu.vector_store %arg11[%parallel_loop3A_227], %parallel_loop3A_226 {strides = array<i32>} : memref<4096xf32, #tpu.memory_space<vmem>>, vector<16xf32>,
        %parallel_loop3A_229 = vector.broadcast %parallel_loop3A_202 : i32 to vector<16xi32>
        %parallel_loop3A_230 = arith.cmpf ogt, %parallel_loop3A_226, %parallel_loop3A_203 : vector<16xf32>
        %parallel_loop3A_231 = arith.cmpf oeq, %parallel_loop3A_226, %parallel_loop3A_203 : vector<16xf32>
        %parallel_loop3A_232 = arith.cmpi slt, %parallel_loop3A_229, %parallel_loop3A_204 : vector<16xi32>
        %parallel_loop3A_233 = arith.andi %parallel_loop3A_231, %parallel_loop3A_232 : vector<16xi1>
        %parallel_loop3A_234 = arith.ori %parallel_loop3A_230, %parallel_loop3A_233 : vector<16xi1>
        %parallel_loop3A_235 = arith.select %parallel_loop3A_234, %parallel_loop3A_226, %parallel_loop3A_203 : vector<16xi1>, vector<16xf32>
        %parallel_loop3A_236 = arith.select %parallel_loop3A_234, %parallel_loop3A_229, %parallel_loop3A_204 : vector<16xi1>, vector<16xi32>
        scf.yield %parallel_loop3A_235, %parallel_loop3A_236 : vector<16xf32>, vector<16xi32>
      } {sc.loop_unroll_factor = 4 : i64, sc.parallel_access}
      %broadcast_in_dim3A_105 = vector.broadcast %mul3A_56 : i32 to vector<16xi32>
      %mul3A_106 = arith.constant 16 : i32
      %mul3A_107 = vector.broadcast %mul3A_106 : i32 to vector<16xi32>
      %mul3A_108 = arith.muli %parallel_loop3A_104#1, %mul3A_107 : vector<16xi32>
      %add3A_109 = arith.addi %broadcast_in_dim3A_105, %mul3A_108 : vector<16xi32>
      %add3A_110 = arith.addi %add3A_109, %iota3A : vector<16xi32>
      %reduce_max3A = arith.constant true
      %reduce_max3A_111 = vector.broadcast %reduce_max3A : i1 to vector<16xi1>
      %reduce_max3A_112 = tpu.scan <max>, %parallel_loop3A_104#0 masked %reduce_max3A_111 : vector<16xf32>, vector<16xi1> -> vector<16xf32>
      %reduce_max3A_113 = vector.extract %reduce_max3A_112[15] : f32 from vector<16xf32>
      %broadcast_in_dim3A_114 = vector.broadcast %reduce_max3A_113 : f32 to vector<16xf32>
      %eq3A_115 = arith.cmpf oeq, %parallel_loop3A_104#0, %broadcast_in_dim3A_114 : vector<16xf32>
      %broadcast_in_dim3A_116 = arith.constant 2147483647 : i32
      %broadcast_in_dim3A_117 = vector.broadcast %broadcast_in_dim3A_116 : i32 to vector<16xi32>
      %select_n3A_118 = arith.select %eq3A_115, %add3A_110, %broadcast_in_dim3A_117 : vector<16xi1>, vector<16xi32>
      %reduce_min3A = arith.constant true
      %reduce_min3A_119 = vector.broadcast %reduce_min3A : i1 to vector<16xi1>
      %reduce_min3A_120 = arith.constant -2147483648 : i32
      %reduce_min3A_121 = vector.broadcast %reduce_min3A_120 : i32 to vector<16xi32>
      %reduce_min3A_122 = arith.xori %select_n3A_118, %reduce_min3A_121 : vector<16xi32>
      %reduce_min3A_123 = tpu.scan <min>, %reduce_min3A_122 masked %reduce_min3A_119 : vector<16xi32>, vector<16xi1> -> vector<16xi32>
      %reduce_min3A_124 = arith.xori %reduce_min3A_123, %reduce_min3A_121 : vector<16xi32>
      %reduce_min3A_125 = vector.extract %reduce_min3A_124[15] : i32 from vector<16xi32>
      %bitcast3A = vector.bitcast %broadcast_in_dim3A_114 : vector<16xf32> to vector<16xi32>
      %swap3A = arith.constant 0 : index
      %swap3A_126 = tpu.vector_load %arg13[%swap3A] {strides = array<i32>} : memref<32xi32, #tpu.memory_space<vmem>>, vector<16xi32>,
      tpu.vector_store %arg13[%swap3A], %bitcast3A {strides = array<i32>} : memref<32xi32, #tpu.memory_space<vmem>>, vector<16xi32>,
      %broadcast_in_dim3A_127 = vector.broadcast %reduce_min3A_125 : i32 to vector<16xi32>
      %swap3A_128 = arith.constant 16 : index
      %swap3A_129 = tpu.vector_load %arg13[%swap3A_128] {strides = array<i32>} : memref<32xi32, #tpu.memory_space<vmem>>, vector<16xi32>,
      tpu.vector_store %arg13[%swap3A_128], %broadcast_in_dim3A_127 {strides = array<i32>} : memref<32xi32, #tpu.memory_space<vmem>>, vector<16xi32>,
      %jit3A_130 = arith.constant 2 : i32
      %eq3A_131 = arith.constant 0 : i32
      %eq3A_132 = arith.cmpi eq, %jit3A_130, %eq3A_131 : i32
      %jit3A_133 = arith.constant 1 : i32
      %select_n3A_134 = arith.select %eq3A_132, %jit3A_133, %jit3A_130 : i32
      %rem3A_135 = arith.remsi %scan3A_89, %select_n3A_134 : i32
      %ne3A_136 = arith.constant 0 : i32
      %ne3A_137 = arith.cmpi ne, %rem3A_135, %ne3A_136 : i32
      %lt3A_138 = arith.constant 0 : i32
      %lt3A_139 = arith.cmpi slt, %rem3A_135, %lt3A_138 : i32
      %lt3A_140 = arith.constant 0 : i32
      %lt3A_141 = arith.cmpi slt, %select_n3A_134, %lt3A_140 : i32
      %ne3A_142 = arith.xori %lt3A_139, %lt3A_141 : i1
      %and3A_143 = arith.andi %ne3A_142, %ne3A_137 : i1
      %add3A_144 = arith.addi %rem3A_135, %select_n3A_134 : i32
      %select_n3A_145 = arith.select %and3A_143, %add3A_144, %rem3A_135 : i32
      %mul3A_146 = arith.constant 512 : i32
      %mul3A_147 = arith.muli %select_n3A_145, %mul3A_146 : i32
      %mul3A_148 = arith.constant 32 : i32
      %mul3A_149 = arith.muli %arg1, %mul3A_148 : i32
      %add3A_150 = arith.addi %mul3A_147, %mul3A_149 : i32
      "tpu.region"() ({
        %run_scoped3A = tpu.sem_alloc : memref<!tpu.dma_semaphore, #tpu.memory_space<semaphore_mem>>
        %dma_start3A = tpu.memref_slice %arg16[%add3A_150] : memref<1024xi32, #tpu.memory_space<vmem_shared>> -> memref<32xi32, #tpu.memory_space<vmem_shared>>
        %dma_start3A_202 = tpu.memref_slice %arg16[%add3A_150] : memref<1024xi32, #tpu.memory_space<vmem_shared>> -> memref<32xi32, #tpu.memory_space<vmem_shared>>
        tpu.enqueue_dma source(%arg13 : memref<32xi32, #tpu.memory_space<vmem>>) target(%dma_start3A_202 : memref<32xi32, #tpu.memory_space<vmem_shared>>) target_semaphore(%run_scoped3A : memref<!tpu.dma_semaphore, #tpu.memory_space<semaphore_mem>>)
        %dma_wait3A = tpu.memref_slice %arg16[%add3A_150] : memref<1024xi32, #tpu.memory_space<vmem_shared>> -> memref<32xi32, #tpu.memory_space<vmem_shared>>
        %dma_wait3A_203 = tpu.memref_slice %arg16[%add3A_150] : memref<1024xi32, #tpu.memory_space<vmem_shared>> -> memref<32xi32, #tpu.memory_space<vmem_shared>>
        tpu.wait_dma2 semaphore(%run_scoped3A : memref<!tpu.dma_semaphore, #tpu.memory_space<semaphore_mem>>) src(%arg13 : memref<32xi32, #tpu.memory_space<vmem>>) dst(%dma_wait3A_203 : memref<32xi32, #tpu.memory_space<vmem_shared>>)
        tpu.yield
      }) : () -> ()
      %barrier3A = arith.constant 0 : index
      tpu.barrier barrier_id(%barrier3A)
      %mul3A_151 = arith.constant 512 : i32
      %mul3A_152 = arith.muli %select_n3A_145, %mul3A_151 : i32
      %mul3A_153 = arith.constant 128 : i32
      %mul3A_154 = arith.muli %select_n3A_54, %mul3A_153 : i32
      %add3A_155 = arith.addi %mul3A_152, %mul3A_154 : i32
      "tpu.region"() ({
        %run_scoped3A = tpu.sem_alloc : memref<!tpu.dma_semaphore, #tpu.memory_space<semaphore_mem>>
        %dma_start3A = tpu.memref_slice %arg16[%add3A_155] : memref<1024xi32, #tpu.memory_space<vmem_shared>> -> memref<128xi32, #tpu.memory_space<vmem_shared>>
        %dma_start3A_202 = tpu.memref_slice %arg16[%add3A_155] : memref<1024xi32, #tpu.memory_space<vmem_shared>> -> memref<128xi32, #tpu.memory_space<vmem_shared>>
        tpu.enqueue_dma source(%dma_start3A_202 : memref<128xi32, #tpu.memory_space<vmem_shared>>) target(%arg14 : memref<128xi32, #tpu.memory_space<vmem>>) target_semaphore(%run_scoped3A : memref<!tpu.dma_semaphore, #tpu.memory_space<semaphore_mem>>)
        %dma_wait3A = tpu.memref_slice %arg16[%add3A_155] : memref<1024xi32, #tpu.memory_space<vmem_shared>> -> memref<128xi32, #tpu.memory_space<vmem_shared>>
        %dma_wait3A_203 = tpu.memref_slice %arg16[%add3A_155] : memref<1024xi32, #tpu.memory_space<vmem_shared>> -> memref<128xi32, #tpu.memory_space<vmem_shared>>
        tpu.wait_dma2 semaphore(%run_scoped3A : memref<!tpu.dma_semaphore, #tpu.memory_space<semaphore_mem>>) src(%dma_wait3A_203 : memref<128xi32, #tpu.memory_space<vmem_shared>>) dst(%arg14 : memref<128xi32, #tpu.memory_space<vmem>>)
        tpu.yield
      }) : () -> ()
      %get3A = arith.constant 0 : index
      %get3A_156 = tpu.vector_load %arg14[%get3A] {strides = array<i32>} : memref<128xi32, #tpu.memory_space<vmem>>, vector<16xi32>,
      %bitcast3A_157 = vector.bitcast %get3A_156 : vector<16xi32> to vector<16xf32>
      %get3A_158 = arith.constant 16 : index
      %get3A_159 = tpu.vector_load %arg14[%get3A_158] {strides = array<i32>} : memref<128xi32, #tpu.memory_space<vmem>>, vector<16xi32>,
      %get3A_160 = arith.constant 32 : index
      %get3A_161 = tpu.vector_load %arg14[%get3A_160] {strides = array<i32>} : memref<128xi32, #tpu.memory_space<vmem>>, vector<16xi32>,
      %bitcast3A_162 = vector.bitcast %get3A_161 : vector<16xi32> to vector<16xf32>
      %get3A_163 = arith.constant 48 : index
      %get3A_164 = tpu.vector_load %arg14[%get3A_163] {strides = array<i32>} : memref<128xi32, #tpu.memory_space<vmem>>, vector<16xi32>,
      %gt3A = arith.cmpf ogt, %bitcast3A_162, %bitcast3A_157 : vector<16xf32>
      %eq3A_165 = arith.cmpf oeq, %bitcast3A_162, %bitcast3A_157 : vector<16xf32>
      %lt3A_166 = arith.cmpi slt, %get3A_164, %get3A_159 : vector<16xi32>
      %and3A_167 = arith.andi %eq3A_165, %lt3A_166 : vector<16xi1>
      %or3A = arith.ori %gt3A, %and3A_167 : vector<16xi1>
      %select_n3A_168 = arith.select %or3A, %bitcast3A_162, %bitcast3A_157 : vector<16xi1>, vector<16xf32>
      %select_n3A_169 = arith.select %or3A, %get3A_164, %get3A_159 : vector<16xi1>, vector<16xi32>
      %get3A_170 = arith.constant 64 : index
      %get3A_171 = tpu.vector_load %arg14[%get3A_170] {strides = array<i32>} : memref<128xi32, #tpu.memory_space<vmem>>, vector<16xi32>,
      %bitcast3A_172 = vector.bitcast %get3A_171 : vector<16xi32> to vector<16xf32>
      %get3A_173 = arith.constant 80 : index
      %get3A_174 = tpu.vector_load %arg14[%get3A_173] {strides = array<i32>} : memref<128xi32, #tpu.memory_space<vmem>>, vector<16xi32>,
      %gt3A_175 = arith.cmpf ogt, %bitcast3A_172, %select_n3A_168 : vector<16xf32>
      %eq3A_176 = arith.cmpf oeq, %bitcast3A_172, %select_n3A_168 : vector<16xf32>
      %lt3A_177 = arith.cmpi slt, %get3A_174, %select_n3A_169 : vector<16xi32>
      %and3A_178 = arith.andi %eq3A_176, %lt3A_177 : vector<16xi1>
      %or3A_179 = arith.ori %gt3A_175, %and3A_178 : vector<16xi1>
      %select_n3A_180 = arith.select %or3A_179, %bitcast3A_172, %select_n3A_168 : vector<16xi1>, vector<16xf32>
      %select_n3A_181 = arith.select %or3A_179, %get3A_174, %select_n3A_169 : vector<16xi1>, vector<16xi32>
      %get3A_182 = arith.constant 96 : index
      %get3A_183 = tpu.vector_load %arg14[%get3A_182] {strides = array<i32>} : memref<128xi32, #tpu.memory_space<vmem>>, vector<16xi32>,
      %bitcast3A_184 = vector.bitcast %get3A_183 : vector<16xi32> to vector<16xf32>
      %get3A_185 = arith.constant 112 : index
      %get3A_186 = tpu.vector_load %arg14[%get3A_185] {strides = array<i32>} : memref<128xi32, #tpu.memory_space<vmem>>, vector<16xi32>,
      %gt3A_187 = arith.cmpf ogt, %bitcast3A_184, %select_n3A_180 : vector<16xf32>
      %eq3A_188 = arith.cmpf oeq, %bitcast3A_184, %select_n3A_180 : vector<16xf32>
      %lt3A_189 = arith.cmpi slt, %get3A_186, %select_n3A_181 : vector<16xi32>
      %and3A_190 = arith.andi %eq3A_188, %lt3A_189 : vector<16xi1>
      %or3A_191 = arith.ori %gt3A_187, %and3A_190 : vector<16xi1>
      %select_n3A_192 = arith.select %or3A_191, %bitcast3A_184, %select_n3A_180 : vector<16xi1>, vector<16xf32>
      %select_n3A_193 = arith.select %or3A_191, %get3A_186, %select_n3A_181 : vector<16xi1>, vector<16xi32>
      %reduce_max3A_194 = arith.constant true
      %reduce_max3A_195 = vector.broadcast %reduce_max3A_194 : i1 to vector<16xi1>
      %reduce_max3A_196 = arith.constant -2147483648 : i32
      %reduce_max3A_197 = vector.broadcast %reduce_max3A_196 : i32 to vector<16xi32>
      %reduce_max3A_198 = arith.xori %select_n3A_193, %reduce_max3A_197 : vector<16xi32>
      %reduce_max3A_199 = tpu.scan <max>, %reduce_max3A_198 masked %reduce_max3A_195 : vector<16xi32>, vector<16xi1> -> vector<16xi32>
      %reduce_max3A_200 = arith.xori %reduce_max3A_199, %reduce_max3A_197 : vector<16xi32>
      %reduce_max3A_201 = vector.extract %reduce_max3A_200[15] : i32 from vector<16xi32>
      scf.yield %reduce_max3A_201 : i32
    }
    %scan3A_77 = arith.constant 1024 : i32
    %mul3A_78 = arith.constant 256 : i32
    %mul3A_79 = arith.muli %select_n3A_30, %mul3A_78 : i32
    %scan3A_80 = arith.constant 0 : i32
    %scan3A_81 = arith.constant 0 : i32
    %scan3A_82 = arith.constant 16 : i32
    %scan3A_83 = arith.addi %scan3A_81, %scan3A_82 : i32
    %scan3A_84 = arith.constant 1 : i32
    %scan3A_85 = scf.for %scan3A_89 = %scan3A_81 to %scan3A_83 step %scan3A_84 iter_args(%scan3A_90 = %scan3A_80) -> (i32)  : i32 {
      %mul3A_91 = arith.constant 16 : i32
      %mul3A_92 = arith.muli %scan3A_89, %mul3A_91 : i32
      %add3A_93 = arith.addi %mul3A_79, %mul3A_92 : i32
      %get3A = arith.index_cast %add3A_93 : i32 to index
      %get3A_94 = tpu.vector_load %arg12[%get3A] {strides = array<i32>} : memref<1024xi32, #tpu.memory_space<vmem>>, vector<16xi32>,
      %mul3A_95 = arith.constant 16 : i32
      %mul3A_96 = arith.muli %scan3A_89, %mul3A_95 : i32
      %broadcast_in_dim3A_97 = vector.broadcast %mul3A_96 : i32 to vector<16xi32>
      %add3A_98 = arith.addi %broadcast_in_dim3A_97, %iota3A : vector<16xi32>
      %mul3A_99 = arith.constant 6 : i32
      %mul3A_100 = vector.broadcast %mul3A_99 : i32 to vector<16xi32>
      %mul3A_101 = arith.muli %add3A_98, %mul3A_100 : vector<16xi32>
      %gather3A = tpu.vector_load_idx %arg5[%get3A_94] : memref<16384xf32, #tpu.memory_space<vmem>>[vector<16xi32>], vector<16xf32>,
      tpu.vector_store_idx %arg15[%mul3A_101], %gather3A : memref<1536xf32, #tpu.memory_space<vmem>>[vector<16xi32>], vector<16xf32>,
      %add3A_102 = arith.constant 1 : i32
      %add3A_103 = vector.broadcast %add3A_102 : i32 to vector<16xi32>
      %add3A_104 = arith.addi %mul3A_101, %add3A_103 : vector<16xi32>
      %gather3A_105 = tpu.vector_load_idx %arg6[%get3A_94] : memref<16384xf32, #tpu.memory_space<vmem>>[vector<16xi32>], vector<16xf32>,
      tpu.vector_store_idx %arg15[%add3A_104], %gather3A_105 : memref<1536xf32, #tpu.memory_space<vmem>>[vector<16xi32>], vector<16xf32>,
      %add3A_106 = arith.constant 2 : i32
      %add3A_107 = vector.broadcast %add3A_106 : i32 to vector<16xi32>
      %add3A_108 = arith.addi %mul3A_101, %add3A_107 : vector<16xi32>
      %gather3A_109 = tpu.vector_load_idx %arg7[%get3A_94] : memref<16384xf32, #tpu.memory_space<vmem>>[vector<16xi32>], vector<16xf32>,
      tpu.vector_store_idx %arg15[%add3A_108], %gather3A_109 : memref<1536xf32, #tpu.memory_space<vmem>>[vector<16xi32>], vector<16xf32>,
      %add3A_110 = arith.constant 3 : i32
      %add3A_111 = vector.broadcast %add3A_110 : i32 to vector<16xi32>
      %add3A_112 = arith.addi %mul3A_101, %add3A_111 : vector<16xi32>
      %gather3A_113 = tpu.vector_load_idx %arg8[%get3A_94] : memref<16384xf32, #tpu.memory_space<vmem>>[vector<16xi32>], vector<16xf32>,
      tpu.vector_store_idx %arg15[%add3A_112], %gather3A_113 : memref<1536xf32, #tpu.memory_space<vmem>>[vector<16xi32>], vector<16xf32>,
      %add3A_114 = arith.constant 4 : i32
      %add3A_115 = vector.broadcast %add3A_114 : i32 to vector<16xi32>
      %add3A_116 = arith.addi %mul3A_101, %add3A_115 : vector<16xi32>
      %gather3A_117 = tpu.vector_load_idx %arg9[%get3A_94] : memref<16384xf32, #tpu.memory_space<vmem>>[vector<16xi32>], vector<16xf32>,
      tpu.vector_store_idx %arg15[%add3A_116], %gather3A_117 : memref<1536xf32, #tpu.memory_space<vmem>>[vector<16xi32>], vector<16xf32>,
      %add3A_118 = arith.constant 5 : i32
      %add3A_119 = vector.broadcast %add3A_118 : i32 to vector<16xi32>
      %add3A_120 = arith.addi %mul3A_101, %add3A_119 : vector<16xi32>
      %gather3A_121 = tpu.vector_load_idx %arg10[%get3A_94] : memref<16384xf32, #tpu.memory_space<vmem>>[vector<16xi32>], vector<16xf32>,
      tpu.vector_store_idx %arg15[%add3A_120], %gather3A_121 : memref<1536xf32, #tpu.memory_space<vmem>>[vector<16xi32>], vector<16xf32>,
      %scan3A_122 = arith.constant 0 : i32
      scf.yield %scan3A_122 : i32
    }
    %scan3A_86 = arith.constant 16 : i32
    %mul3A_87 = arith.constant 6 : i32
    %mul3A_88 = arith.muli %mul3A_79, %mul3A_87 : i32
    "tpu.region"() ({
      %run_scoped3A = tpu.sem_alloc : memref<!tpu.dma_semaphore, #tpu.memory_space<semaphore_mem>>
      %dma_start3A = tpu.memref_slice %arg3[%add3A, %mul3A_88] : memref<8x6144xf32, #tpu.memory_space<hbm>> -> memref<1x1536xf32, #tpu.memory_space<hbm>>
      %dma_start3A_89 = tpu.memref_squeeze %dma_start3A : memref<1x1536xf32, #tpu.memory_space<hbm>> -> memref<1536xf32, #tpu.memory_space<hbm>>
      %dma_start3A_90 = tpu.memref_slice %arg3[%add3A, %mul3A_88] : memref<8x6144xf32, #tpu.memory_space<hbm>> -> memref<1x1536xf32, #tpu.memory_space<hbm>>
      %dma_start3A_91 = tpu.memref_squeeze %dma_start3A_90 : memref<1x1536xf32, #tpu.memory_space<hbm>> -> memref<1536xf32, #tpu.memory_space<hbm>>
      tpu.enqueue_dma source(%arg15 : memref<1536xf32, #tpu.memory_space<vmem>>) target(%dma_start3A_91 : memref<1536xf32, #tpu.memory_space<hbm>>) target_semaphore(%run_scoped3A : memref<!tpu.dma_semaphore, #tpu.memory_space<semaphore_mem>>)
      %dma_wait3A = tpu.memref_slice %arg3[%add3A, %mul3A_88] : memref<8x6144xf32, #tpu.memory_space<hbm>> -> memref<1x1536xf32, #tpu.memory_space<hbm>>
      %dma_wait3A_92 = tpu.memref_squeeze %dma_wait3A : memref<1x1536xf32, #tpu.memory_space<hbm>> -> memref<1536xf32, #tpu.memory_space<hbm>>
      %dma_wait3A_93 = tpu.memref_slice %arg3[%add3A, %mul3A_88] : memref<8x6144xf32, #tpu.memory_space<hbm>> -> memref<1x1536xf32, #tpu.memory_space<hbm>>
      %dma_wait3A_94 = tpu.memref_squeeze %dma_wait3A_93 : memref<1x1536xf32, #tpu.memory_space<hbm>> -> memref<1536xf32, #tpu.memory_space<hbm>>
      tpu.wait_dma2 semaphore(%run_scoped3A : memref<!tpu.dma_semaphore, #tpu.memory_space<semaphore_mem>>) src(%arg15 : memref<1536xf32, #tpu.memory_space<vmem>>) dst(%dma_wait3A_94 : memref<1536xf32, #tpu.memory_space<hbm>>)
      tpu.yield
    }) : () -> ()
    return
  }
}

</mosaic_0001>

<sc_bundles>
// kernel: kernel.3.cloned.1.call-start
scs
__scs_entry_jumppad:
0x0: {  	(pc) =	sbr.rel $0x88, $3  }
0x1: {  	(tag) =	ssettag $0x0;
	lr =	simm.s32 $0x1  }
0x2: {  	[smem:$0x3FA0] =	sst lr;
	_ =	strace $0xD0000000  }
0x3: {  	_ = 	snop  }
0x4: {  	_ = 	snop  }
0x5: {  	_ = 	snop  }
0x6: {  	_ = 	snop  }
0x7: {  	_ = 	snop  }
__scs_overlays_trampoline_lowered:
0x8: {  	[smem:$0x3FAF] =	sst s0  }
0x9: {  	[smem:$0x3FB0] =	sst s1  }
0xa: {  	[smem:$0x3FB1] =	sst s2  }
0xb: {  	[smem:$0x3FB2] =	sst s3  }
0xc: {  	[smem:$0x3FB3] =	sst s4  }
0xd: {  	[smem:$0x3FB4] =	sst s5  }
0xe: {  	[smem:$0x3FB5] =	sst s6  }
0xf: {  	[smem:$0x3FB6] =	sst s7  }
0x10: {  	[smem:$0x3FB7] =	sst s8  }
0x11: {  	[smem:$0x3FB8] =	sst s9;
	s0 =	simm.s32 @!p0 $0x0  }
0x12: {  	s1 =	sld [smem:$0x3F9E];
	s0 =	simm.s32 @p0 $0x1  }
0x13: {  	[smem:$0x3FB9] =	sst s0;
	s0 =	simm.s32 @!p1 $0x0  }
0x14: {  	s2 =	sld [smem:$0x3F9D];
	s0 =	simm.s32 @p1 $0x1  }
0x15: {  	[smem:$0x3FBA] =	sst s0;
	s0 =	simm.s32 @!p2 $0x0  }
0x16: {  	s3 =	sld [smem:$0x3FDB];
	s0 =	simm.s32 @p2 $0x1  }
0x17: {  	s4 =	simm.s32 $0x1BF5;
	[smem:$0x3FBC] =	sst s0  }
0x18: {  	s0 =	sld [smem:$0x3F9F];
	_ =	swait.ge [sflag:s4], $0x0  }
0x19: {  	s7 =	sld [smem:$0x3FA0]  }
0x1a: {  	s8 =	sadd.s32 $0xFFFFE003, lr  }
0x1b: {  	s9 =	sadd.s32 $0xFFFFFEF7, lr;
	s5 =	simm.s32 $0xFFFFFFFF;
	p2 =	slt.u32 s8, $0xFFFFF086  }
0x1c: {  	p1 =	slt.u32 s9, $0xF7A;
	s5 =	simm.s32 @!p2 $0x0  }
0x1d: {  	s5 =	simm.s32 @p1 $0x1;
	p0 =	seq.s32 s7, s2  }
0x1e: {  	s7 =	smul.u32 @!p0 $0xF7A, s2;
	p2 =	seq.s32 @!p0 s5, $0x0  }
0x1f: {  	s9 =	smul.u32 $0xF7A, s1;
	s8 =	simm.s32 @!p0 $0x1BF5;
	p2 =	por !p2, p0  }
0x20: {  	[sflag:s8] =	ssyncset.s32 @!p0 $0xFFFFF086;
	s6 =	sadd.s32 @!p0 s3, s7;
	s7 =	simm.s32 @!p0 $0x108  }
0x21: {  	s3 =	sadd.s32 s3, s9;
	s6 =	sadd.s32 @!p0 $0x88, s6;
	s7 =	simm.s32 @p2 $0x1082  }
0x22: {  	[simem:s7], [sflag:s8] =	dma.local @!p0 [hbm:s6], $0xF7A  }
0x23: {  	s9 =	sor.u32 $0xD0000000, s2;
	s6 =	simm.s32 $0x108;
	_ =	swait.ge @!p0 [sflag:s8], $0x0  }
0x24: {  	s3 =	sadd.s32 $0x88, s3;
	s6 =	simm.s32 @!p1 $0x1082;
	[sflag:s4] =	ssyncset.s32 $0xFFFFF086  }
0x25: {  	[simem:s6], [sflag:s4] =	dma.local [hbm:s3], $0xF7A  }
0x26: {  	[smem:$0x3FA0] =	sst s1;
	(tag) =	ssettag s2;
	_ =	strace s9  }
0x27: {  	s1 =	sld [smem:$0x3FB0]  }
0x28: {  	s2 =	sld [smem:$0x3FB1]  }
0x29: {  	s4 =	sld [smem:$0x3FB3]  }
0x2a: {  	p0 =	seq.s32 s5, $0x0;
	s5 =	sld [smem:$0x3FB4]  }
0x2b: {  	s6 =	sld [smem:$0x3FB5]  }
0x2c: {  	s7 =	sld [smem:$0x3FB6]  }
0x2d: {  	s3 =	simm.s32 $0x108;
	s8 =	sld [smem:$0x3FB7]  }
0x2e: {  	s3 =	simm.s32 @!p0 $0x1082;
	s9 =	sld [smem:$0x3FB8]  }
0x2f: {  	lr =	sadd.s32 s0, s3;
	s0 =	sld [smem:$0x3FAF]  }
0x30: {  	s3 =	sld [smem:$0x3FB2]  }
0x31: {  	[smem:$0x3FBB] =	sst s10  }
0x32: {  	s10 =	sld [smem:$0x3FB9];
	_ =	sdelay $0x3  }
0x33: {  	p0 =	seq.s32 s10, $0x1;
	s10 =	sld [smem:$0x3FBB];
	_ =	sdelay $0x3  }
0x34: {  	[smem:$0x3FBB] =	sst s10  }
0x35: {  	s10 =	sld [smem:$0x3FBA];
	_ =	sdelay $0x3  }
0x36: {  	p1 =	seq.s32 s10, $0x1;
	s10 =	sld [smem:$0x3FBB];
	_ =	sdelay $0x3  }
0x37: {  	[smem:$0x3FBB] =	sst s10  }
0x38: {  	s10 =	sld [smem:$0x3FBC]  }
0x39: {  	_ = 	snop;
	(pc) =	sbr.ind lr, $3  }
0x3a: {  	_ = 	snop  }
0x3b: {  	_ = 	snop  }
0x3c: {  	p2 =	seq.s32 s10, $0x1;
	s10 =	sld [smem:$0x3FBB]  }
0x3d: {  	_ =	shalt  }
0x3e: {  	_ =	shalt  }
0x3f: {  	_ =	shalt  }
0x40: {  	_ =	shalt  }
0x41: {  	_ =	shalt  }
0x42: {  	_ =	shalt  }
0x43: {  	_ =	shalt  }
0x44: {  	_ =	shalt  }
0x45: {  	_ =	shalt  }
0x46: {  	_ =	shalt  }
0x47: {  	_ =	shalt  }
0x48: {  	_ =	shalt  }
0x49: {  	_ =	shalt  }
0x4a: {  	_ =	shalt  }
0x4b: {  	_ =	shalt  }
0x4c: {  	_ =	shalt  }
0x4d: {  	_ =	shalt  }
0x4e: {  	_ =	shalt  }
0x4f: {  	_ =	shalt  }
0x50: {  	_ =	shalt  }
0x51: {  	_ =	shalt  }
0x52: {  	_ =	shalt  }
0x53: {  	_ =	shalt  }
0x54: {  	_ =	shalt  }
0x55: {  	_ =	shalt  }
0x56: {  	_ =	shalt  }
0x57: {  	_ =	shalt  }
0x58: {  	_ =	shalt  }
0x59: {  	_ =	shalt  }
0x5a: {  	_ =	shalt  }
0x5b: {  	_ =	shalt  }
0x5c: {  	_ =	shalt  }
0x5d: {  	_ =	shalt  }
0x5e: {  	_ =	shalt  }
0x5f: {  	_ =	shalt  }
0x60: {  	_ =	shalt  }
0x61: {  	_ =	shalt  }
0x62: {  	_ =	shalt  }
0x63: {  	_ =	shalt  }
0x64: {  	_ =	shalt  }
0x65: {  	_ =	shalt  }
0x66: {  	_ =	shalt  }
0x67: {  	_ =	shalt  }
0x68: {  	_ =	shalt  }
0x69: {  	_ =	shalt  }
0x6a: {  	_ =	shalt  }
0x6b: {  	_ =	shalt  }
0x6c: {  	_ =	shalt  }
0x6d: {  	_ =	shalt  }
0x6e: {  	_ =	shalt  }
0x6f: {  	_ =	shalt  }
0x70: {  	_ =	shalt  }
0x71: {  	_ =	shalt  }
0x72: {  	_ =	shalt  }
0x73: {  	_ =	shalt  }
0x74: {  	_ =	shalt  }
0x75: {  	_ =	shalt  }
0x76: {  	_ =	shalt  }
0x77: {  	_ =	shalt  }
0x78: {  	_ =	shalt  }
0x79: {  	_ =	shalt  }
0x7a: {  	_ =	shalt  }
0x7b: {  	_ =	shalt  }
0x7c: {  	_ =	shalt  }
0x7d: {  	_ =	shalt  }
0x7e: {  	_ =	shalt  }
0x7f: {  	_ =	shalt  }
0x80: {  	_ =	shalt  }
0x81: {  	_ =	shalt  }
0x82: {  	_ =	shalt  }
0x83: {  	_ =	shalt  }
0x84: {  	_ =	shalt  }
0x85: {  	_ =	shalt  }
0x86: {  	_ =	shalt  }
0x87: {  	_ =	shalt  }
.Lfunc_end0:
.L_simem_size_0:
called_computation_lowered:
.L_overlay_start_0:
0x88: {  	s2 =	sld [smem:$0x3FD9]  }
0x89: {  	s3 =	sld [smem:$0x3FFE];
	_ =	sdelay $0x1  }
0x8a: {  	s1 =	srdreg.scid  }
0x8b: {  	s0 =	sand.u32 $0x1, s1  }
0x8c: {  	s17 =	sshll.u32 s0, $0xA;
	s2 =	sadd.s32 s3, s2  }
0x8d: {  	s2 =	sadd.s32 s2, s17  }
0x8e: {  	[smem:$0x3FC7] =	sst s2  }
0x8f: {  	_ = 	snop  }
0x90: {  	s2 =	sld [smem:$0x3FD0];
	(tm) =	ssettm $0x1  }
0x91: {  	s18 =	sld [smem:$0x3FFB];
	_ =	sdelay $0x3  }
0x92: {  	_ =	strace s18  }
0x93: {  	s3 =	sld [smem:$0x3FFC];
	_ =	sdelay $0x3  }
0x94: {  	_ =	strace s3  }
0x95: {  	s3 =	sld [smem:$0x3FFD];
	_ =	sdelay $0x3  }
0x96: {  	_ =	strace s3  }
0x97: {  	_ =	strace $0x8FFFFFFF  }
0x98: {  	s19 =	sld [smem:$0x3FDB];
	_ =	sdelay $0x1  }
0x99: {  	s4 =	simm.s32 $_scs_section_size  }
0x9a: {  	s5 =	simm.s32 $_size__tile_overlayer_lowered;
	s6 =	simm.s32 $_tile_overlayer_lowered  }
0x9b: {  	s22 =	simm.s32 $0x1BFF;
	s21 =	sshll.u32 s6, $0x1;
	s3 =	sadd.s32 s4, s19  }
0x9c: {  	s7 =	simm.s32 $0x0;
	s20 =	sshll.u32 s5, $0x1;
	s5 =	sadd.s32 s21, s3  }
0x9d: {  	[timem:s7], [sflag:s22] =	dma.local [hbm:s5], s20  }
0x9e: {  	_ =	swait.ge [sflag:s22], s20  }
0x9f: {  	s4 =	ssub.s32 $0x0, s20;
	[sflag:s22] =	ssyncset.done $0x0  }
0xa0: {  	[sflag:s22] =	ssyncadd.s32 s4;
	_ =	sdelay $0x1  }
0xa1: {  	s23 =	simm.s32 $0x1B8B  }
0xa2: {  	_ =	swait.ge [sflag:s23], $0x1  }
0xa3: {  	[sflag:s23] =	ssyncset.done $0x0  }
0xa4: {  	s25 =	simm.s32 $0x1B8E;
	s24 =	sld [smem:$0x3FFE];
	[sflag:s23] =	ssyncadd.s32 $0xFFFFFFFF  }
0xa5: {  	s26 =	simm.s32 $execute0_lowered;
	[smem:$0x3FD2] =	sst s25  }
0xa6: {  	s5 =	sshll.u32 s26, $0x1;
	_ =	strace $0x80000046;
	[dreg:$0x1] =	wrdreg $0xFFFFFFFF  }
0xa7: {  	s28 =	simm.s32 $_size_execute0_lowered;
	s3 =	sadd.s32 s3, s5;
	[dreg:$0x0] =	wrdreg $0x0  }
0xa8: {  	s5 =	sshll.u32 s28, $0x1;
	[dreg:$0x2] =	wrdreg s3  }
0xa9: {  	[dreg:$0x3] =	wrdreg s5  }
0xaa: {  	[dreg:$0x4] =	wrdreg $0xC0  }
0xab: {  	_ =	task [dreg:s7], $0x5FFFF  }
0xac: {  	[dreg:$0x1] =	wrdreg $0xFFFFFFFF  }
0xad: {  	[dreg:$0x0] =	wrdreg $0x60  }
0xae: {  	[dreg:$0x2] =	wrdreg s24  }
0xaf: {  	[dreg:$0x3] =	wrdreg s2  }
0xb0: {  	[dreg:$0x4] =	wrdreg $0x1CB000  }
0xb1: {  	[dreg:$0x5] =	wrdreg $0x9  }
0xb2: {  	_ =	task.clear_ibuf [dreg:s7], $0x6FFFF;
	_ =	strace $0x90000046  }
0xb3: {  	s29 =	simm.s32 $0x9;
	_ =	strace $0x80000048  }
0xb4: {  	_ =	swait.ge [sflag:s29], $0x1  }
0xb5: {  	[sflag:s29] =	ssyncadd.s32 $0xFFFFFFFF  }
0xb6: {  	_ =	strace $0x90000048  }
0xb7: {  	_ =	sfence  }
0xb8: {  	s30 =	sld [smem:$0x0];
	_ =	sdelay $0x2  }
0xb9: {  	s31 =	sshll.u32 s1, $0xD;
	s1 =	sshrl.u32 s1, $0x2  }
0xba: {  	s3 =	sand.u32 $0x4000, s31;
	s1 =	sadd.s32 s1, s30  }
0xbb: {  	s0 =	sor.u32 s3, s0;
	s1 =	sshll.u32 s1, $0x11  }
0xbc: {  	s0 =	sor.u32 s1, s0  }
0xbd: {  	s0 =	sadd.s32 $0x8F2B, s0  }
0xbe: {  	[sflag:s0] =	ssyncadd.remote.s32 $0x1  }
0xbf: {  	_ =	sfence.sel $0xFFFF  }
0xc0: {  	[dreg:$0x0] =	wrdreg $0xFFFFFFFF;
	(pc) =	sbr.abs _section_cstart, $3  }
0xc1: {  	[dreg:$0x1] =	wrdreg $0xFFFFFFFF  }
0xc2: {  	_ =	task.clear_ibuf [dreg:s7], $0x2FFFF;
	_ =	strace $0x9FFFFFFF  }
0xc3: {  	(tm) =	ssettm $0x7FFFFFFF  }
tec
execute0_lowered:
.L_overlay_start_1:
0x0: {  	(tag) =	ssettag $0x1  }
0x1: {  	s0 =	rddreg [dreg:$0x0]  }
0x2: {  	s1 =	rddreg [dreg:$0x1];
	s2 =	simm.s32 $0x0  }
0x3: {  	s3 =	srdreg.scid;
	s11 =	stileid.u32;
	s12 =	simm.s32 $0x80  }
0x4: {  	s13 =	simm.s32 $0x400;
	s14 =	simm.s32 $0x1;
	s15 =	simm.s32 $0x3000  }
0x5: {  	s16 =	simm.s32 $0x7000;
	s17 =	simm.s32 $0xB000;
	s22 =	simm.s32 $0x1C480  }
0x6: {  	s23 =	simm.s32 $0x1C500;
	s24 =	simm.s32 $0xF000;
	s25 =	simm.s32 $0x13000  }
0x7: {  	s26 =	simm.s32 $0x17000;
	[smem:$0x7FF] =	sst s2;
	s3 =	sand.u32 $0x1, s3  }
0x8: {  	s7 =	sshrl.u32 s11, $0x2;
	s8 =	sand.u32 $0x3, s11;
	s4 =	sadd.s32 $0x200400, s0  }
0x9: {  	s31 =	sshll.u32 s11, $0x7;
	_ =	strace $0x80000047;
	s5 =	ssub.s32 $0x2, s3  }
0xa: {  	s3 =	sshll.u32 s3, $0x9;
	s9 =	sshll.u32 s7, $0x7;
	s10 =	smul.u32 $0x3000, s8  }
0xb: {  	s30 =	sshll.u32 s8, $0xC;
	s7 =	sshll.u32 s7, $0x9;
	s6 =	sshrl.u32 s5, $0x1  }
0xc: {  	v8 =	vlaneseq.u32;
	s19 =	sshrl.u32 s31, $0x2;
	s29 =	ssub.s32 s5, s6;
	s5 =	sor.u32 s9, s3  }
0xd: {  	v0 =	vmul.u32 $0x6, v8;
	s21 =	sshrl.u32 s7, $0x2;
	s6 =	sshll.u32 s11, $0x8;
	s9 =	sor.u32 s10, s5  }
0xe: {  	v7 =	vimm.f32 $+Inf;
	v8 =	vor.u32 $0x80000000, v8;
	s11 =	sadd.s32 $0xB020, s30;
	s0 =	smax.u32 s29, $0x1;
	s9 =	sshrl.u32 s9, $0x3  }
0xf: {  	v1 =	vmov s30;
	v2 =	vor.u32 $0x1, v0;
	v3 =	vadd.s32 $0x2, v0;
	s10 =	sadd.s32 $0x3020, s30;
	[dreg:$0x5] =	wrdreg s0;
	s1 =	sadd.s32 s1, s9  }
0x10: {  	v4 =	vadd.s32 $0x3, v0;
	v5 =	vadd.s32 $0x4, v0;
	v6 =	vadd.s32 $0x5, v0;
	s9 =	sadd.s32 $0x7020, s30;
	[dreg:$0x4] =	wrdreg s1;
	s1 =	simm.s32 $0x0  }
.LBB2_1:
0x11: {  	[dreg:$0x6] =	wrdreg s1;
	s0 =	simm.s32 $0x17000  }
0x12: {  	s3 =	simm.s32 $0x13000;
	s7 =	simm.s32 $0xF000;
	s8 =	simm.s32 $0xB000  }
0x13: {  	s29 =	simm.s32 $0x7000;
	s30 =	simm.s32 $0x3000;
	s31 =	simm.s32 $0x0  }
.LBB2_2:
0x14: {  	s1 =	simm.s32 $0x0  }
0x15: {  	v9 =	vmov s1  }
0x16: {  	s18 =	smul.u32 $0x18000, s31;
	v9 =	vmul.u32 $0x6, v9;
	_ =	sdelay $0x1  }
0x17: {  	s18 =	sor.u32 s5, s18;
	v15 =	vbroadcast v9, $0x0  }
0x18: {  	s18 =	sshrl.u32 s18, $0x3  }
0x19: {  	s18 =	sadd.s32 s4, s18;
	v9 =	vadd.s32 v0, v15  }
0x1a: {  	[tilespmem:s1], [sflag:$0x1] =	stream.strided.gather [hbm4b:s18+s12], $0x3000, s13, s12, $0x38;
	[tilespmem:$0x1CB40] =	vst v63  }
0x1b: {  	_ =	swait.ge [sflag:s14], $0x3000  }
0x1c: {  	[sflag:s14] =	ssyncset.done $0x0  }
0x1d: {  	[sflag:s14] =	ssyncadd.s32 $0xFFFFD000  }
0x1e: {  	v10 =	vmov s30;
	v9 =	vld.idx.msk [tilespmem:v9+s2+$0x0], $0xffff  }
0x1f: {  	v12 =	vadd.s32 v2, v15;
	_ =	sdelay $0x2  }
0x20: {  	s28 =	simm.s32 $0x0  }
0x21: {  	[tilespmem:v10+s28+$0x0 ss:$0x1] =	vst.idx.msk $0xffff, v9  }
0x22: {  	v11 =	vmov s29;
	v9 =	vld.idx.msk [tilespmem:v12+s2+$0x0], $0xffff  }
0x23: {  	v13 =	vadd.s32 v3, v15;
	_ =	sdelay $0x3  }
0x24: {  	[tilespmem:v11+s28+$0x0 ss:$0x1] =	vst.idx.msk $0xffff, v9  }
0x25: {  	v12 =	vmov s8;
	v9 =	vld.idx.msk [tilespmem:v13+s2+$0x0], $0xffff  }
0x26: {  	v14 =	vadd.s32 v4, v15;
	_ =	sdelay $0x3  }
0x27: {  	[tilespmem:v12+s28+$0x0 ss:$0x1] =	vst.idx.msk $0xffff, v9  }
0x28: {  	v13 =	vmov s7;
	v9 =	vld.idx.msk [tilespmem:v14+s2+$0x0], $0xffff  }
0x29: {  	v16 =	vadd.s32 v5, v15;
	_ =	sdelay $0x3  }
0x2a: {  	[tilespmem:v13+s28+$0x0 ss:$0x1] =	vst.idx.msk $0xffff, v9  }
0x2b: {  	v14 =	vmov s3;
	v16 =	vld.idx.msk [tilespmem:v16+s2+$0x0], $0xffff  }
0x2c: {  	v15 =	vadd.s32 v6, v15  }
0x2d: {  	s18 =	simm.s32 $0x10  }
0x2e: {  	s20 =	simm.s32 $0x80;
	s1 =	simm.s32 $0x40;
	v17 =	vmov s18;
	v9 =	vmov s0  }
.LBB2_3:
0x2f: {  	p0 =	sne.s32 s20, $0x1FC0;
	v17 =	vmul.u32 $0x6, v17  }
0x30: {  	[tilespmem:v14+s28+$0x0 ss:$0x1] =	vst.idx.msk $0xffff, v16  }
0x31: {  	v17 =	vbroadcast v17, $0x0;
	v15 =	vld.idx.msk [tilespmem:v15+s2+$0x0], $0xffff;
	_ =	sdelay $0x1  }
0x32: {  	v16 =	vadd.s32 v0, v17;
	_ =	sdelay $0x3  }
0x33: {  	[tilespmem:v9+s28+$0x0 ss:$0x1] =	vst.idx.msk $0xffff, v15  }
0x34: {  	v15 =	vld.idx.msk [tilespmem:v16+s2+$0x0], $0xffff;
	_ =	sdelay $0x1  }
0x35: {  	v16 =	vadd.s32 v2, v17;
	_ =	sdelay $0x2  }
0x36: {  	s28 =	sshra.s32 s1, $0x2;
	s1 =	smov.u32 s20  }
0x37: {  	[tilespmem:v10+s28+$0x0 ss:$0x1] =	vst.idx.msk $0xffff, v15  }
0x38: {  	v15 =	vld.idx.msk [tilespmem:v16+s2+$0x0], $0xffff;
	_ =	sdelay $0x1  }
0x39: {  	v16 =	vadd.s32 v3, v17;
	_ =	sdelay $0x3  }
0x3a: {  	[tilespmem:v11+s28+$0x0 ss:$0x1] =	vst.idx.msk $0xffff, v15  }
0x3b: {  	v15 =	vld.idx.msk [tilespmem:v16+s2+$0x0], $0xffff;
	_ =	sdelay $0x1  }
0x3c: {  	v16 =	vadd.s32 v4, v17;
	_ =	sdelay $0x3  }
0x3d: {  	[tilespmem:v12+s28+$0x0 ss:$0x1] =	vst.idx.msk $0xffff, v15  }
0x3e: {  	v15 =	vld.idx.msk [tilespmem:v16+s2+$0x0], $0xffff;
	_ =	sdelay $0x1  }
0x3f: {  	v16 =	vadd.s32 v5, v17;
	_ =	sdelay $0x3  }
0x40: {  	[tilespmem:v13+s28+$0x0 ss:$0x1] =	vst.idx.msk $0xffff, v15  }
.Ltmp0:
0x41: {  	v16 =	vld.idx.msk [tilespmem:v16+s2+$0x0], $0xffff;
	(pc) =	sbr.rel @p0 .LBB2_3-.Ltmp0, $4  }
0x42: {  	_ = 	snop  }
0x43: {  	v15 =	vadd.s32 v6, v17  }
0x44: {  	s18 =	sadd.s32 $0x10, s18  }
0x45: {  	s20 =	sadd.s32 $0x40, s20;
	v17 =	vmov s18  }
0x46: {  	_ =	sdelay $0x1  }
0x47: {  	v17 =	vmul.u32 $0x6, v17;
	_ =	sdelay $0x1  }
0x48: {  	[tilespmem:v14+s28+$0x0 ss:$0x1] =	vst.idx.msk $0xffff, v16;
	v61 =	vbroadcast v17, $0x0  }
0x49: {  	v15 =	vld.idx.msk [tilespmem:v15+s2+$0x0], $0xffff  }
0x4a: {  	v17 =	vadd.s32 v0, v61;
	_ =	sdelay $0x3  }
0x4b: {  	[tilespmem:v9+s28+$0x0 ss:$0x1] =	vst.idx.msk $0xffff, v15  }
0x4c: {  	v15 =	vld.idx.msk [tilespmem:v17+s2+$0x0], $0xffff  }
0x4d: {  	v62 =	vadd.s32 v2, v61;
	_ =	sdelay $0x2  }
0x4e: {  	s1 =	sshra.s32 s1, $0x2  }
0x4f: {  	[tilespmem:v10+s1+$0x0 ss:$0x1] =	vst.idx.msk $0xffff, v15  }
0x50: {  	v10 =	vld.idx.msk [tilespmem:v62+s2+$0x0], $0xffff  }
0x51: {  	v63 =	vadd.s32 v3, v61;
	_ =	sdelay $0x3  }
0x52: {  	[tilespmem:v11+s1+$0x0 ss:$0x1] =	vst.idx.msk $0xffff, v10  }
0x53: {  	v10 =	vld.idx.msk [tilespmem:v63+s2+$0x0], $0xffff  }
0x54: {  	v11 =	vadd.s32 v4, v61;
	_ =	sdelay $0x3  }
0x55: {  	[tilespmem:v12+s1+$0x0 ss:$0x1] =	vst.idx.msk $0xffff, v10  }
0x56: {  	v10 =	vld.idx.msk [tilespmem:v11+s2+$0x0], $0xffff  }
0x57: {  	v11 =	vadd.s32 v5, v61;
	_ =	sdelay $0x3  }
0x58: {  	[tilespmem:v13+s1+$0x0 ss:$0x1] =	vst.idx.msk $0xffff, v10  }
0x59: {  	v10 =	vld.idx.msk [tilespmem:v11+s2+$0x0], $0xffff  }
0x5a: {  	v11 =	vadd.s32 v6, v61;
	_ =	sdelay $0x3  }
0x5b: {  	s31 =	sadd.s32 $0x1, s31;
	[tilespmem:v14+s1+$0x0 ss:$0x1] =	vst.idx.msk $0xffff, v10  }
0x5c: {  	p0 =	sne.s32 s31, $0x8;
	v10 =	vld.idx.msk [tilespmem:v11+s2+$0x0], $0xffff  }
.Ltmp1:
0x5d: {  	_ = 	snop;
	(pc) =	sbr.rel @p0 .LBB2_2-.Ltmp1, $4  }
0x5e: {  	_ = 	snop  }
0x5f: {  	s30 =	sadd.s32 $0x800, s30  }
0x60: {  	s29 =	sadd.s32 $0x800, s29;
	s8 =	sadd.s32 $0x800, s8;
	s7 =	sadd.s32 $0x800, s7  }
0x61: {  	s3 =	sadd.s32 $0x800, s3;
	s0 =	sadd.s32 $0x800, s0;
	[tilespmem:v9+s1+$0x0 ss:$0x1] =	vst.idx.msk $0xffff, v10;
	s1 =	simm.s32 $0x0  }
0x62: {  	s0 =	simm.s32 $0x40;
	s3 =	simm.s32 $0x0  }
.LBB2_6:
0x63: {  	p0 =	sne.s32 s0, $0x3FC0;
	[tilespmem:s3+$0x1B000] =	vst v7;
	s3 =	smov.u32 s0;
	s0 =	sadd.s32 $0x40, s0  }
.Ltmp2:
0x64: {  	(pc) =	sbr.rel @p0 .LBB2_6-.Ltmp2, $2  }
0x65: {  	_ =	sdelay $0x2  }
0x66: {  	s3 =	sshra.s32 s3, $0x2  }
0x67: {  	[tilespmem:s3+$0x1B000] =	vst v7;
	s29 =	simm.s32 $0x0;
	s18 =	rddreg [dreg:$0x2];
	s20 =	simm.s32 $0x1C000  }
.LBB2_8:
0x68: {  	v12 =	vmov s1;
	_ =	sdelay $0x1  }
0x69: {  	v13 =	vmov s29;
	_ =	sdelay $0x2  }
0x6a: {  	v10 =	vld.idx.msk [tilespmem:v12+s15+$0x0], $0xffff  }
0x6b: {  	v11 =	vld.idx.msk [tilespmem:v12+s16+$0x0], $0xffff  }
0x6c: {  	v9 =	vld.idx.msk [tilespmem:v12+s17+$0x0], $0xffff;
	[tilespmem:v13+s20+$0x0] =	vst.idx.msk $0x1, v12  }
0x6d: {  	v12 =	vld [tilespmem:s9+$0x10]  }
0x6e: {  	v13 =	vld [tilespmem:s10+$0x10]  }
0x6f: {  	v14 =	vld [tilespmem:s11+$0x10]  }
0x70: {  	v16 =	vld [tilespmem:s10+$0xFFFFFFE0]  }
0x71: {  	v17 =	vld [tilespmem:s11+$0xFFFFFFE0]  }
0x72: {  	v15 =	vld [tilespmem:s9+$0x0]  }
0x73: {  	v19 =	vld [tilespmem:s9+$0xFFFFFFE0]  }
0x74: {  	v20 =	vld [tilespmem:s10+$0xFFFFFFF0]  }
0x75: {  	v21 =	vimm.f32 $-Inf;
	s0 =	simm.s32 $0x0;
	v23 =	vimm.s32 $0x0;
	v22 =	vld [tilespmem:s11+$0xFFFFFFF0]  }
0x76: {  	s7 =	simm.s32 $0x2;
	v25 =	vmov s0;
	v24 =	vld [tilespmem:s9+$0xFFFFFFF0];
	v16 =	vsub.f32 v16, v10;
	v17 =	vsub.f32 v17, v9  }
0x77: {  	v28 =	vmov s7;
	v18 =	vld [tilespmem:s10+$0x0];
	v12 =	vsub.f32 v12, v11;
	v13 =	vsub.f32 v13, v10  }
0x78: {  	s30 =	simm.s32 $0x1B020;
	s1 =	simm.s32 $0x1;
	v26 =	vld [tilespmem:s11+$0x0];
	v19 =	vsub.f32 v19, v11;
	v16 =	vmul.f32 v16, v16;
	v17 =	vmul.f32 v17, v17  }
0x79: {  	v61 =	vmov s1;
	v27 =	vld [tilespmem:s30+$0xFFFFFFE0];
	v14 =	vsub.f32 v14, v9;
	v20 =	vsub.f32 v20, v10  }
0x7a: {  	v16 =	vadd.f32 v17, v16;
	v17 =	vmul.f32 v19, v19;
	v19 =	vsub.f32 v22, v9  }
0x7b: {  	vm1 =	vlt.s32 v25, v23;
	v15 =	vsub.f32 v15, v11;
	v22 =	vsub.f32 v24, v11  }
0x7c: {  	v16 =	vadd.f32 v16, v17;
	v17 =	vmul.f32 v20, v20;
	v19 =	vmul.f32 v19, v19  }
0x7d: {  	v18 =	vsub.f32 v18, v10;
	v26 =	vsub.f32 v26, v9;
	v29 =	vmul.f32 v13, v13;
	v20 =	vld [tilespmem:s30+$0xFFFFFFF0]  }
0x7e: {  	v27 =	vmin.f32 v27, v16;
	v13 =	vadd.f32 v19, v17;
	v16 =	vmul.f32 v22, v22  }
0x7f: {  	v18 =	vmul.f32 v18, v18;
	v17 =	vmul.f32 v26, v26;
	vm0 =	veq.f32 v27, v21  }
0x80: {  	vm2 =	vgt.f32 v27, v21;
	vm0 =	vmand vm1, vm0;
	v13 =	vadd.f32 v13, v16  }
0x81: {  	v22 =	vld [tilespmem:s30+$0x0];
	v17 =	vadd.f32 v17, v18;
	v18 =	vmul.f32 v15, v15;
	vm0 =	vmor vm2, vm0  }
0x82: {  	s8 =	sadd.s32 $0x40, s10;
	v16 =	vld [tilespmem:s30+$0x10];
	v19 =	vsel vm0, v27, v21;
	v21 =	vsel vm0, s0, v23;
	v23 =	vmin.f32 v20, v13  }
0x83: {  	s3 =	sadd.s32 $0x40, s11;
	v15 =	vld [tilespmem:s8+$0x10];
	v20 =	vmul.f32 v14, v14;
	vm0 =	veq.f32 v23, v19;
	vm1 =	vlt.s32 v61, v21  }
0x84: {  	v17 =	vadd.f32 v17, v18;
	v14 =	vld [tilespmem:s3+$0x10];
	vm2 =	vgt.f32 v23, v19;
	vm0 =	vmand vm1, vm0  }
0x85: {  	v63 =	vmul.f32 v12, v12;
	s0 =	sadd.s32 $0x40, s9;
	v18 =	vld [tilespmem:s3+$0xFFFFFFE0];
	v62 =	vadd.f32 v20, v29;
	vm0 =	vmor vm2, vm0  }
0x86: {  	[tilespmem:s30+$0xFFFFFFE0] =	vst v27;
	v13 =	vld [tilespmem:s0+$0x10];
	v19 =	vsel vm0, v23, v19;
	v20 =	vsel vm0, s1, v21;
	v21 =	vmin.f32 v22, v17  }
0x87: {  	v12 =	vld [tilespmem:s0+$0x0];
	[tilespmem:s30+$0xFFFFFFF0] =	vst v23;
	vm1 =	veq.f32 v21, v19;
	vm2 =	vlt.s32 v28, v20  }
0x88: {  	s31 =	simm.s32 $0x4;
	s28 =	simm.s32 $0x8;
	v17 =	vld [tilespmem:s8+$0xFFFFFFE0];
	v22 =	vadd.f32 v62, v63;
	s1 =	simm.s32 $0x3;
	[tilespmem:s30+$0x0] =	vst v21;
	vm0 =	vgt.f32 v21, v19;
	vm1 =	vmand vm2, vm1  }
.LBB2_9:
0x89: {  	p0 =	slt.u32 s28, $0xFC;
	v23 =	vmov s31;
	v24 =	vld [tilespmem:s8+$0x0];
	vm0 =	vmor vm0, vm1;
	v25 =	vmov s1  }
0x8a: {  	v26 =	vld [tilespmem:s0+$0xFFFFFFE0];
	v19 =	vsel vm0, v21, v19;
	v20 =	vsel vm0, s7, v20;
	v16 =	vmin.f32 v16, v22  }
0x8b: {  	v22 =	vsub.f32 v13, v11;
	v21 =	vld [tilespmem:s8+$0xFFFFFFF0];
	[tilespmem:s30+$0x10] =	vst v16;
	vm0 =	veq.f32 v16, v19;
	vm1 =	vlt.s32 v25, v20  }
0x8c: {  	v15 =	vsub.f32 v15, v10;
	vm2 =	vgt.f32 v16, v19;
	v13 =	vld [tilespmem:s3+$0xFFFFFFF0];
	vm0 =	vmand vm1, vm0  }
0x8d: {  	v17 =	vsub.f32 v17, v10;
	v18 =	vsub.f32 v18, v9;
	v25 =	vld [tilespmem:s0+$0xFFFFFFF0];
	vm0 =	vmor vm2, vm0  }
0x8e: {  	v14 =	vsub.f32 v14, v9;
	v16 =	vsel vm0, v16, v19;
	v19 =	vsel vm0, s1, v20  }
0x8f: {  	s7 =	sadd.s32 $0x2, s31;
	s30 =	sadd.s32 $0x40, s30;
	v17 =	vmul.f32 v17, v17;
	v20 =	vsub.f32 v26, v11;
	v18 =	vmul.f32 v18, v18;
	v26 =	vld [tilespmem:s3+$0x0]  }
0x90: {  	v12 =	vsub.f32 v12, v11;
	v28 =	vmov s7;
	v27 =	vld [tilespmem:s30+$0xFFFFFFE0];
	v21 =	vsub.f32 v21, v10  }
0x91: {  	s1 =	sadd.s32 $0x1, s31;
	v17 =	vadd.f32 v18, v17;
	v18 =	vmul.f32 v20, v20;
	v13 =	vsub.f32 v13, v9  }
0x92: {  	v24 =	vsub.f32 v24, v10;
	v20 =	vsub.f32 v25, v11;
	v25 =	vmov s1  }
0x93: {  	v17 =	vadd.f32 v17, v18;
	v18 =	vmul.f32 v21, v21;
	v13 =	vmul.f32 v13, v13  }
0x94: {  	v29 =	vmul.f32 v15, v15;
	v24 =	vmul.f32 v24, v24;
	v21 =	vld [tilespmem:s30+$0xFFFFFFF0];
	v26 =	vsub.f32 v26, v9  }
0x95: {  	v15 =	vmin.f32 v27, v17;
	v13 =	vadd.f32 v13, v18;
	v17 =	vmul.f32 v20, v20  }
0x96: {  	vm1 =	vlt.s32 v23, v19;
	[tilespmem:s30+$0xFFFFFFE0] =	vst v15;
	vm0 =	veq.f32 v15, v16;
	v18 =	vmul.f32 v26, v26  }
0x97: {  	vm2 =	vgt.f32 v15, v16;
	vm0 =	vmand vm1, vm0;
	v13 =	vadd.f32 v13, v17  }
0x98: {  	v12 =	vmul.f32 v12, v12;
	vm0 =	vmor vm2, vm0;
	v17 =	vadd.f32 v18, v24;
	v18 =	vld [tilespmem:s30+$0x0]  }
0x99: {  	s0 =	sadd.s32 $0x40, s0;
	v20 =	vsel vm0, v15, v16;
	v23 =	vsel vm0, s31, v19;
	v19 =	vmin.f32 v21, v13;
	v16 =	vld [tilespmem:s30+$0x10]  }
0x9a: {  	s8 =	sadd.s32 $0x40, s8;
	v21 =	vmul.f32 v14, v14;
	v13 =	vld [tilespmem:s0+$0x10];
	[tilespmem:s30+$0xFFFFFFF0] =	vst v19;
	vm0 =	veq.f32 v19, v20;
	vm1 =	vlt.s32 v25, v23  }
.Ltmp3:
0x9b: {  	s3 =	sadd.s32 $0x40, s3;
	vm2 =	vgt.f32 v19, v20;
	v17 =	vadd.f32 v17, v12;
	v15 =	vld [tilespmem:s8+$0x10];
	vm0 =	vmand vm1, vm0;
	(pc) =	sbr.rel @p0 .LBB2_9-.Ltmp3, $4  }
0x9c: {  	v22 =	vmul.f32 v22, v22;
	v24 =	vadd.f32 v21, v29;
	v14 =	vld [tilespmem:s3+$0x10];
	vm0 =	vmor vm2, vm0  }
0x9d: {  	v12 =	vld [tilespmem:s0+$0x0];
	v19 =	vsel vm0, v19, v20;
	v20 =	vsel vm0, s1, v23;
	v21 =	vmin.f32 v18, v17  }
0x9e: {  	v17 =	vld [tilespmem:s8+$0xFFFFFFE0];
	[tilespmem:s30+$0x0] =	vst v21;
	vm1 =	veq.f32 v21, v19;
	vm2 =	vlt.s32 v28, v20  }
0x9f: {  	v22 =	vadd.f32 v24, v22;
	s1 =	sadd.s32 $0x3, s31;
	s31 =	smov.u32 s28;
	s28 =	sadd.s32 $0x4, s28;
	vm0 =	vgt.f32 v21, v19;
	v18 =	vld [tilespmem:s3+$0xFFFFFFE0];
	vm1 =	vmand vm2, vm1  }
0xa0: {  	v23 =	vmov s31;
	vm0 =	vmor vm0, vm1;
	v24 =	vmov s1;
	v25 =	vld [tilespmem:s0+$0xFFFFFFE0]  }
0xa1: {  	v43 =	vld [tilespmem:s8+$0xFFFFFFF0];
	v13 =	vsub.f32 v13, v11;
	v15 =	vsub.f32 v15, v10;
	v19 =	vsel vm0, v21, v19  }
0xa2: {  	v44 =	vld [tilespmem:s8+$0x0];
	s8 =	sadd.s32 $0x1, s31;
	v20 =	vsel vm0, s7, v20;
	v16 =	vmin.f32 v16, v22;
	v14 =	vsub.f32 v14, v9  }
0xa3: {  	v45 =	vld [tilespmem:s3+$0xFFFFFFF0];
	v47 =	vmov s8;
	vm4 =	veq.f32 v16, v19;
	vm5 =	vlt.s32 v24, v20  }
0xa4: {  	v26 =	vld [tilespmem:s0+$0xFFFFFFF0];
	s7 =	sadd.s32 $0x2, s31;
	vm2 =	vgt.f32 v16, v19;
	v17 =	vsub.f32 v17, v10;
	v18 =	vsub.f32 v18, v9  }
0xa5: {  	v12 =	vsub.f32 v12, v11;
	v46 =	vmov s7;
	vm0 =	vmand vm5, vm4  }
0xa6: {  	v27 =	vld [tilespmem:s3+$0x0];
	s0 =	sadd.s32 $0x40, s30;
	v17 =	vmul.f32 v17, v17;
	v25 =	vsub.f32 v25, v11;
	v18 =	vmul.f32 v18, v18  }
0xa7: {  	v28 =	vld [tilespmem:s0+$0xFFFFFFE0];
	v15 =	vmul.f32 v15, v15;
	vm0 =	vmor vm2, vm0;
	v21 =	vsub.f32 v43, v10  }
0xa8: {  	v24 =	vsub.f32 v45, v9;
	v25 =	vmul.f32 v25, v25;
	v17 =	vadd.f32 v18, v17  }
0xa9: {  	v19 =	vsel vm0, v16, v19;
	v20 =	vsel vm0, s1, v20;
	v11 =	vsub.f32 v26, v11  }
0xaa: {  	v21 =	vmul.f32 v21, v21;
	v48 =	vmul.f32 v24, v24;
	v17 =	vadd.f32 v17, v25  }
0xab: {  	v49 =	vld [tilespmem:s0+$0xFFFFFFF0];
	v10 =	vsub.f32 v44, v10;
	v9 =	vsub.f32 v27, v9;
	vm7 =	vlt.s32 v23, v20  }
0xac: {  	v11 =	vmul.f32 v11, v11;
	v21 =	vadd.f32 v48, v21;
	v17 =	vmin.f32 v28, v17  }
0xad: {  	v10 =	vmul.f32 v10, v10;
	v9 =	vmul.f32 v9, v9;
	vm6 =	veq.f32 v17, v19  }
0xae: {  	v11 =	vadd.f32 v21, v11;
	vm8 =	vgt.f32 v17, v19;
	vm0 =	vmand vm7, vm6  }
0xaf: {  	v50 =	vld [tilespmem:s0+$0x0];
	v9 =	vadd.f32 v9, v10;
	v10 =	vmul.f32 v12, v12;
	vm0 =	vmor vm8, vm0  }
0xb0: {  	v11 =	vmin.f32 v49, v11;
	v19 =	vsel vm0, v17, v19;
	v20 =	vsel vm0, s31, v20  }
0xb1: {  	v14 =	vmul.f32 v14, v14;
	vm9 =	veq.f32 v11, v19;
	vm10 =	vlt.s32 v47, v20  }
0xb2: {  	v9 =	vadd.f32 v9, v10;
	vm11 =	vgt.f32 v11, v19;
	vm0 =	vmand vm10, vm9  }
0xb3: {  	v13 =	vmul.f32 v13, v13;
	v14 =	vadd.f32 v14, v15;
	v10 =	vld [tilespmem:s0+$0x10];
	vm0 =	vmor vm11, vm0  }
0xb4: {  	v9 =	vmin.f32 v50, v9;
	v51 =	vsel vm0, v11, v19;
	v52 =	vsel vm0, s8, v20  }
0xb5: {  	vm12 =	veq.f32 v9, v51;
	vm13 =	vlt.s32 v46, v52  }
0xb6: {  	s28 =	sadd.s32 $0x3, s31;
	v53 =	vadd.f32 v14, v13;
	vm14 =	vgt.f32 v9, v51;
	vm0 =	vmand vm13, vm12  }
0xb7: {  	v54 =	vmov s28;
	vm0 =	vmor vm14, vm0  }
0xb8: {  	v10 =	vmin.f32 v10, v53;
	v55 =	vsel vm0, v9, v51;
	v56 =	vsel vm0, s7, v52  }
0xb9: {  	vm15 =	veq.f32 v10, v55;
	vm4 =	vlt.s32 v54, v56  }
0xba: {  	vm5 =	vgt.f32 v10, v55;
	vm0 =	vmand vm4, vm15  }
0xbb: {  	vm0 =	vmor vm5, vm0  }
0xbc: {  	v12 =	vsel vm0, v10, v55  }
0xbd: {  	(xrf0) =	vmax.scan.msk.f32 $0xffff, v12;
	_ =	sdelay $0x5  }
0xbe: {  	v57 =	vsel vm0, s28, v56;
	v58, _, _ =	vpop (xrf0)  }
0xbf: {  	v13 =	vshll.u32 v57, $0x4;
	v14 =	vbroadcast v58, $0xF  }
0xc0: {  	v13 =	vadd.s32 v1, v13  }
0xc1: {  	v59 =	vxor.u32 v8, v13;
	vm6 =	veq.f32 v12, v14  }
0xc2: {  	v12 =	vnsel vm6, $0xFFFFFFFF, v59  }
0xc3: {  	(xrf0) =	vmin.scan.msk.u32 $0xffff, v12;
	_ =	sdelay $0x5  }
0xc4: {  	v12, _, _ =	vpop (xrf0)  }
0xc5: {  	(v2sf) =	vpush v12, $0xF;
	_ =	sdelay $0xb  }
0xc6: {  	[tilespmem:s30+$0x10] =	vst v16  }
0xc7: {  	[tilespmem:s0+$0xFFFFFFE0] =	vst v17  }
0xc8: {  	[tilespmem:s0+$0xFFFFFFF0] =	vst v11  }
0xc9: {  	[tilespmem:s0+$0x0] =	vst v9;
	s31 =	sshll.u32 s29, $0x9;
	s30 =	spop (v2sf)  }
0xca: {  	[tilespmem:s0+$0x10] =	vst v10;
	s8 =	sand.u32 $0x200, s31;
	s7 =	sxor.u32 $0x80000000, s30  }
0xcb: {  	s28 =	sadd.s32 s8, s18;
	[tilespmem:$0x1C400] =	vst v14;
	v9 =	vmov s7  }
0xcc: {  	s1 =	sadd.s32 s19, s28;
	s30 =	simm.s32 $0x1C400;
	[tilespmem:$0x1C410] =	vst v9  }
0xcd: {  	[spmem:s1] =	stream.linear.scatter [tilespmem:s30], [sflag:$0x1], $0x20, $0x38;
	[tilespmem:$0x1CB40] =	vst v63  }
0xce: {  	_ =	swait.ge [sflag:s14], $0x20  }
0xcf: {  	[sflag:s14] =	ssyncset.done $0x0  }
0xd0: {  	[sflag:s14] =	ssyncadd.s32 $0xFFFFFFE0  }
0xd1: {  	s0 =	sadd.s32 s21, s28;
	[bflag:$0x0] =	sbarrier.arrive $0xFFFF  }
0xd2: {  	[tilespmem:s22], [sflag:$0x1] =	stream.linear.gather [spmem:s0], $0x80, $0x38;
	[tilespmem:$0x1CB40] =	vst v63  }
0xd3: {  	_ =	swait.ge [sflag:s14], $0x80  }
0xd4: {  	[sflag:s14] =	ssyncset.done $0x0  }
0xd5: {  	[sflag:s14] =	ssyncadd.s32 $0xFFFFFF80  }
0xd6: {  	v9 =	vld [tilespmem:$0x1C480]  }
0xd7: {  	v10 =	vld [tilespmem:$0x1C490]  }
0xd8: {  	v11 =	vld [tilespmem:$0x1C4A0]  }
0xd9: {  	v60 =	vld [tilespmem:$0x1C4B0];
	_ =	sdelay $0x2  }
0xda: {  	v61 =	vld [tilespmem:$0x1C4C0]  }
0xdb: {  	v62 =	vld [tilespmem:$0x1C4D0]  }
0xdc: {  	vm7 =	veq.f32 v11, v9;
	vm8 =	vlt.s32 v60, v10  }
0xdd: {  	vm9 =	vgt.f32 v11, v9;
	vm0 =	vmand vm7, vm8  }
0xde: {  	v63 =	vld [tilespmem:$0x1C4E0];
	vm0 =	vmor vm9, vm0  }
0xdf: {  	v9 =	vsel vm0, v11, v9;
	v10 =	vsel vm0, v60, v10;
	v11 =	vld [tilespmem:$0x1C4F0]  }
0xe0: {  	vm10 =	veq.f32 v61, v9;
	vm11 =	vlt.s32 v62, v10  }
0xe1: {  	vm12 =	vgt.f32 v61, v9;
	vm0 =	vmand vm10, vm11  }
0xe2: {  	vm0 =	vmor vm12, vm0  }
0xe3: {  	v9 =	vsel vm0, v61, v9;
	v10 =	vsel vm0, v62, v10  }
0xe4: {  	vm13 =	veq.f32 v63, v9;
	vm14 =	vlt.s32 v11, v10  }
0xe5: {  	vm15 =	vgt.f32 v63, v9;
	vm0 =	vmand vm13, vm14  }
0xe6: {  	vm0 =	vmor vm15, vm0  }
0xe7: {  	v9 =	vsel vm0, v11, v10  }
0xe8: {  	v9 =	vxor.u32 $0x80000000, v9  }
0xe9: {  	(xrf0) =	vmax.scan.msk.u32 $0xffff, v9;
	_ =	sdelay $0x5  }
0xea: {  	v9, _, _ =	vpop (xrf0)  }
0xeb: {  	(v2sf) =	vpush v9, $0xF;
	_ =	sdelay $0x9  }
0xec: {  	s29 =	sadd.s32 $0x1, s29  }
0xed: {  	p0 =	sne.s32 s29, $0x400  }
.Ltmp4:
0xee: {  	_ = 	snop;
	(pc) =	sbr.rel @p0 .LBB2_8-.Ltmp4, $3  }
0xef: {  	_ =	sdelay $0x1  }
0xf0: {  	s31 =	spop (v2sf)  }
0xf1: {  	s1 =	sxor.u32 $0x80000000, s31  }
0xf2: {  	s0 =	simm.s32 $0x0;
	s1 =	sadd.s32 $0x0, s6  }
0xf3: {  	s1 =	sand.u32 $0x380, s1;
	s3 =	sand.u32 $0x70, s0  }
0xf4: {  	s1 =	sor.u32 s3, s1  }
0xf5: {  	v9 =	vld [tilespmem:s1+$0x1C000];
	_ =	sdelay $0x2  }
0xf6: {  	v10 =	vmov s0  }
0xf7: {  	v10 =	vmul.u32 $0x6, v10;
	_ =	sdelay $0x1  }
0xf8: {  	v10 =	vbroadcast v10, $0x0;
	_ =	sdelay $0x1  }
0xf9: {  	v12 =	vadd.s32 v0, v10;
	v11 =	vld.idx.msk [tilespmem:v9+s15+$0x0], $0xffff;
	_ =	sdelay $0x4  }
0xfa: {  	[tilespmem:v12+s23+$0x0] =	vst.idx.msk $0xffff, v11  }
0xfb: {  	v60 =	vadd.s32 v2, v10;
	v11 =	vld.idx.msk [tilespmem:v9+s16+$0x0], $0xffff;
	_ =	sdelay $0x4  }
0xfc: {  	[tilespmem:v60+s23+$0x0] =	vst.idx.msk $0xffff, v11  }
0xfd: {  	v61 =	vadd.s32 v3, v10;
	v11 =	vld.idx.msk [tilespmem:v9+s17+$0x0], $0xffff;
	_ =	sdelay $0x4  }
0xfe: {  	[tilespmem:v61+s23+$0x0] =	vst.idx.msk $0xffff, v11  }
0xff: {  	v62 =	vadd.s32 v4, v10;
	v11 =	vld.idx.msk [tilespmem:v9+s24+$0x0], $0xffff;
	_ =	sdelay $0x4  }
0x100: {  	[tilespmem:v62+s23+$0x0] =	vst.idx.msk $0xffff, v11  }
0x101: {  	v63 =	vadd.s32 v5, v10;
	v11 =	vld.idx.msk [tilespmem:v9+s25+$0x0], $0xffff;
	_ =	sdelay $0x4  }
0x102: {  	[tilespmem:v63+s23+$0x0] =	vst.idx.msk $0xffff, v11  }
0x103: {  	v10 =	vadd.s32 v6, v10;
	v9 =	vld.idx.msk [tilespmem:v9+s26+$0x0], $0xffff;
	_ =	sdelay $0x1  }
0x104: {  	s31 =	sadd.s32 $0x10, s6;
	s0 =	simm.s32 $0x10  }
0x105: {  	s3 =	simm.s32 $0x20;
	s7 =	sand.u32 $0x70, s0;
	s1 =	sand.u32 $0x380, s31  }
.LBB2_12:
0x106: {  	p0 =	sne.s32 s3, $0xF0  }
0x107: {  	s1 =	sor.u32 s7, s1;
	[tilespmem:v10+s23+$0x0] =	vst.idx.msk $0xffff, v9;
	s7 =	smov.u32 s3;
	s3 =	sadd.s32 $0x10, s3  }
0x108: {  	v9 =	vld [tilespmem:s1+$0x1C000];
	_ =	sdelay $0x3  }
0x109: {  	v10 =	vmov s0;
	s0 =	smov.u32 s7  }
0x10a: {  	v10 =	vmul.u32 $0x6, v10;
	_ =	sdelay $0x1  }
0x10b: {  	v10 =	vbroadcast v10, $0x0  }
0x10c: {  	v11 =	vld.idx.msk [tilespmem:v9+s15+$0x0], $0xffff  }
0x10d: {  	v12 =	vadd.s32 v0, v10;
	_ =	sdelay $0x4  }
0x10e: {  	[tilespmem:v12+s23+$0x0] =	vst.idx.msk $0xffff, v11  }
0x10f: {  	v11 =	vld.idx.msk [tilespmem:v9+s16+$0x0], $0xffff  }
0x110: {  	v12 =	vadd.s32 v2, v10;
	_ =	sdelay $0x4  }
0x111: {  	[tilespmem:v12+s23+$0x0] =	vst.idx.msk $0xffff, v11  }
0x112: {  	v11 =	vld.idx.msk [tilespmem:v9+s17+$0x0], $0xffff  }
0x113: {  	v12 =	vadd.s32 v3, v10;
	_ =	sdelay $0x4  }
0x114: {  	[tilespmem:v12+s23+$0x0] =	vst.idx.msk $0xffff, v11  }
0x115: {  	v11 =	vld.idx.msk [tilespmem:v9+s24+$0x0], $0xffff  }
0x116: {  	v12 =	vadd.s32 v4, v10;
	_ =	sdelay $0x4  }
0x117: {  	[tilespmem:v12+s23+$0x0] =	vst.idx.msk $0xffff, v11  }
0x118: {  	v11 =	vld.idx.msk [tilespmem:v9+s25+$0x0], $0xffff  }
0x119: {  	v12 =	vadd.s32 v5, v10;
	_ =	sdelay $0x4  }
0x11a: {  	[tilespmem:v12+s23+$0x0] =	vst.idx.msk $0xffff, v11  }
0x11b: {  	v9 =	vld.idx.msk [tilespmem:v9+s26+$0x0], $0xffff  }
.Ltmp5:
0x11c: {  	v10 =	vadd.s32 v6, v10;
	(pc) =	sbr.rel @p0 .LBB2_12-.Ltmp5, $3  }
0x11d: {  	_ =	sdelay $0x1  }
0x11e: {  	s1 =	sadd.s32 s0, s6  }
0x11f: {  	s7 =	sand.u32 $0x70, s0;
	s1 =	sand.u32 $0x380, s1  }
0x120: {  	_ =	sdelay $0x3  }
0x121: {  	s1 =	sor.u32 s7, s1;
	[tilespmem:v10+s23+$0x0] =	vst.idx.msk $0xffff, v9  }
0x122: {  	v9 =	vld [tilespmem:s1+$0x1C000];
	_ =	sdelay $0x2  }
0x123: {  	v10 =	vmov s0  }
0x124: {  	v10 =	vmul.u32 $0x6, v10;
	_ =	sdelay $0x1  }
0x125: {  	v10 =	vbroadcast v10, $0x0;
	_ =	sdelay $0x1  }
0x126: {  	v12 =	vadd.s32 v0, v10;
	v11 =	vld.idx.msk [tilespmem:v9+s15+$0x0], $0xffff;
	_ =	sdelay $0x4  }
0x127: {  	[tilespmem:v12+s23+$0x0] =	vst.idx.msk $0xffff, v11  }
0x128: {  	v60 =	vadd.s32 v2, v10;
	v11 =	vld.idx.msk [tilespmem:v9+s16+$0x0], $0xffff;
	_ =	sdelay $0x4  }
0x129: {  	[tilespmem:v60+s23+$0x0] =	vst.idx.msk $0xffff, v11  }
0x12a: {  	v61 =	vadd.s32 v3, v10;
	v11 =	vld.idx.msk [tilespmem:v9+s17+$0x0], $0xffff;
	_ =	sdelay $0x4  }
0x12b: {  	[tilespmem:v61+s23+$0x0] =	vst.idx.msk $0xffff, v11  }
0x12c: {  	v62 =	vadd.s32 v4, v10;
	v11 =	vld.idx.msk [tilespmem:v9+s24+$0x0], $0xffff;
	_ =	sdelay $0x4  }
0x12d: {  	[tilespmem:v62+s23+$0x0] =	vst.idx.msk $0xffff, v11  }
0x12e: {  	v63 =	vadd.s32 v5, v10;
	v11 =	vld.idx.msk [tilespmem:v9+s25+$0x0], $0xffff;
	_ =	sdelay $0x4  }
0x12f: {  	[tilespmem:v63+s23+$0x0] =	vst.idx.msk $0xffff, v11  }
0x130: {  	v10 =	vadd.s32 v6, v10;
	v9 =	vld.idx.msk [tilespmem:v9+s26+$0x0], $0xffff;
	_ =	sdelay $0x4  }
0x131: {  	s29 =	rddreg [dreg:$0x4];
	[tilespmem:v10+s23+$0x0] =	vst.idx.msk $0xffff, v9  }
0x132: {  	[hbm4b:s29+s12] =	stream.strided.scatter [tilespmem:s23], [sflag:$0x1], $0x600, s13, s12, $0x38;
	[tilespmem:$0x1CB40] =	vst v63  }
0x133: {  	_ =	swait.ge [sflag:s14], $0x600  }
0x134: {  	s30 =	rddreg [dreg:$0x6]  }
0x135: {  	s31 =	rddreg [dreg:$0x5];
	s1 =	sadd.s32 $0x1, s30  }
0x136: {  	p0 =	sne.s32 s1, s31  }
.Ltmp6:
0x137: {  	_ = 	snop;
	(pc) =	sbr.rel @p0 .LBB2_1-.Ltmp6, $3  }
0x138: {  	_ =	sdelay $0x1  }
0x139: {  	[sflag:s14] =	ssyncset.done $0x0  }
0x13a: {  	[sflag:s14] =	ssyncadd.s32 $0xFFFFFA00  }
0x13b: {  	_ =	sfence.sel $0x180000  }
0x13c: {  	[bflag:$0x0] =	sbarrier.arrive $0xFFFF  }
0x13d: {  	_ =	strace $0x90000047  }
0x13e: {  	s0 =	stileid.u32;
	[bflag:$0x2] =	sbarrier.arrive $0xFFFF  }
0x13f: {  	p0 =	sne.s32 s0, $0x0;
	s0 =	rddreg [dreg:$0x3]  }
0x140: {  	s0 =	sadd.s32 @!p0 $0x100000, s0  }
0x141: {  	[sflag:s0] =	ssyncadd.tile.s32 @!p0 $0x1;
	_ =	shalt  }
.Lfunc_end2:
_tile_overlayer_lowered:
.L_overlay_start_2:
0x142: {  	(tag) =	ssettag $0x2  }
0x143: {  	s0 =	rddreg [dreg:$0x0];
	s2 =	stileid.u32  }
0x144: {  	s1 =	rddreg [dreg:$0x1];
	p0 =	sne.s32 s2, $0x0  }
0x145: {  	s3 =	rddreg [dreg:$0x2];
	[bflag:$0x3] =	sbarrier.arrive $0xFFFF;
	s2 =	simm.s32 @!p0 $0x1C01  }
0x146: {  	[timem:s3], [sflag:s2] =	dma.local @!p0 [hbm:s0], s1  }
0x147: {  	s0 =	simm.s32 @!p0 $0x1  }
0x148: {  	_ =	swait.ge @!p0 [sflag:s0], s1  }
0x149: {  	s1 =	ssub.s32 @!p0 $0x0, s1;
	[sflag:s0] =	ssyncset.done @!p0 $0x0  }
0x14a: {  	[sflag:s0] =	ssyncadd.s32 @!p0 s1  }
0x14b: {  	[bflag:$0x3] =	sbarrier.arrive $0xFFFF  }
0x14c: {  	_ =	shalt  }

</sc_bundles>
